<compile_context>
chip_gen: v7x
topology: tpu7x:2x2x1
jax: 0.10.2.dev20260603
libtpu: 0.0.44.dev20260713+nightly
codegen_flags: <defaults>
</compile_context>

<pallas_src>
import functools

import jax
import jax.numpy as jnp
from jax import lax
from jax.experimental import pallas as pl
from jax.experimental.pallas import tpu as pltpu
from jax.experimental.pallas import tpu_sc as plsc

N = 10000
E = 10000
NNZ = 320000
D = 128

NC = 2
NS = 16
NW = NC * NS
L = 16
CH = 128
NCHUNKS = 2560
NCH_W = NCHUNKS // NW
PAD_NNZ = NCHUNKS * CH
EP = 10240
RPS = EP // NS
IB = 8

_f32 = jnp.float32


def _make_hop_body(do_count):
    def _hop_body(src, gidx, sidx, zrow, zhist, out_sum, out_cnt,
                  gi_v, si_v, buf, hist, acc, sem):
        c = lax.axis_index("c")
        s = lax.axis_index("s")
        w = c * NS + s
        pltpu.sync_copy(zrow, buf)
        for t in range(RPS // CH):
            pltpu.sync_copy(buf, acc.at[pl.ds(s * RPS + t * CH, CH)])
        if do_count:
            pltpu.sync_copy(zhist, hist)
        plsc.subcore_barrier()

        def outer(b, carry):
            base = w * NCH_W + b * IB
            pltpu.sync_copy(gidx.at[pl.ds(base, IB)], gi_v)
            pltpu.sync_copy(sidx.at[pl.ds(base, IB)], si_v)

            def body(j, carry2):
                pltpu.async_copy(src.at[gi_v.at[j]], buf, sem).wait()
                pltpu.sync_copy(buf, acc.at[si_v.at[j]], add=True)
                if do_count:
                    for k in range(CH // L):
                        idx = si_v[j, pl.ds(k * L, L)]
                        cnts, last = plsc.scan_count(idx)
                        plsc.addupdate_scatter(hist, [idx], cnts, mask=last)
                return carry2

            lax.fori_loop(0, IB, body, 0)
            return carry

        lax.fori_loop(0, NCH_W // IB, outer, 0)
        plsc.subcore_barrier()
        for t in range(RPS // CH):
            r0 = s * RPS + t * CH
            pltpu.sync_copy(acc.at[pl.ds(r0, CH)], buf)
            pltpu.sync_copy(buf, out_sum.at[c, pl.ds(r0, CH)])
        if do_count:
            pltpu.sync_copy(hist, out_cnt.at[c, s])

    return _hop_body


@functools.cache
def _build_hop(do_count):
    cnt_rows = EP if do_count else 8
    return pl.kernel(
        _make_hop_body(do_count),
        out_type=(jax.ShapeDtypeStruct((NC, EP, D), _f32),
                  jax.ShapeDtypeStruct((NC, NS, cnt_rows), jnp.int32)),
        mesh=plsc.VectorSubcoreMesh(core_axis_name="c", subcore_axis_name="s",
                                    num_cores=NC, num_subcores=NS),
        scratch_types=[
            pltpu.VMEM((IB, CH), jnp.int32),
            pltpu.VMEM((IB, CH), jnp.int32),
            pltpu.VMEM((CH, D), _f32),
            pltpu.VMEM((EP if do_count else 8,), jnp.int32),
            pltpu.VMEM_SHARED((EP, D), _f32),
            pltpu.SemaphoreType.DMA,
        ],
        compiler_params=pltpu.CompilerParams(needs_layout_passes=False),
    )


def _mid_body(s_ref, c_ref, de_ref, o_ref):
    ssum = s_ref[0] + s_ref[1]
    cnt = jnp.maximum(
        jnp.sum(c_ref[...], axis=(0, 1)).astype(_f32), 1.0)[:, None]
    o_ref[...] = ssum / cnt * de_ref[...]


def _fin_body(s_ref, dv_ref, x0_ref, w_ref, ab_ref, o_ref):
    xv = (s_ref[0] + s_ref[1]) * dv_ref[...]
    nrm = jnp.sqrt(jnp.sum(xv * xv, axis=1, keepdims=True))
    xn = xv * jnp.where(nrm > 0.0, 1.0 / nrm, 0.0)
    a = ab_ref[0]
    b = ab_ref[1]
    xi = (1.0 - a) * xn + a * x0_ref[...]
    o_ref[...] = (1.0 - b) * xi + b * jnp.dot(
        xi, w_ref[...], preferred_element_type=jnp.float32)


_RB = 1024

_mid = pl.pallas_call(
    _mid_body,
    grid=(EP // _RB,),
    in_specs=[
        pl.BlockSpec((NC, _RB, D), lambda i: (0, i, 0)),
        pl.BlockSpec((NC, NS, _RB), lambda i: (0, 0, i)),
        pl.BlockSpec((_RB, 1), lambda i: (i, 0)),
    ],
    out_specs=pl.BlockSpec((_RB, D), lambda i: (i, 0)),
    out_shape=jax.ShapeDtypeStruct((EP, D), _f32),
)

_fin = pl.pallas_call(
    _fin_body,
    grid=(EP // _RB,),
    in_specs=[
        pl.BlockSpec((NC, _RB, D), lambda i: (0, i, 0)),
        pl.BlockSpec((_RB, 1), lambda i: (i, 0)),
        pl.BlockSpec((_RB, D), lambda i: (i, 0)),
        pl.BlockSpec((D, D), lambda i: (0, 0)),
        pl.BlockSpec(memory_space=pltpu.SMEM),
    ],
    out_specs=pl.BlockSpec((_RB, D), lambda i: (i, 0)),
    out_shape=jax.ShapeDtypeStruct((EP, D), _f32),
)


def kernel(X, vertex, edges, alpha, beta, X0, degE, degV, W):
    v32 = vertex.astype(jnp.int32)
    e32 = edges.astype(jnp.int32)
    pad = PAD_NNZ - NNZ
    sprd = jnp.arange(pad, dtype=jnp.int32)
    gpad = sprd % N
    spad = E + sprd % (EP - E)
    vg = jnp.concatenate([v32, gpad]).reshape(NCHUNKS, CH)
    es = jnp.concatenate([e32, spad]).reshape(NCHUNKS, CH)
    eg = jnp.concatenate([e32, gpad]).reshape(NCHUNKS, CH)
    vs = jnp.concatenate([v32, spad]).reshape(NCHUNKS, CH)
    zrow = jnp.zeros((CH, D), _f32)
    zhist = jnp.zeros((EP,), jnp.int32)
    degEp = jnp.concatenate([degE, jnp.ones((EP - E, 1), _f32)])
    degVp = jnp.concatenate([degV, jnp.ones((EP - N, 1), _f32)])
    X0p = jnp.concatenate([X0, jnp.zeros((EP - N, D), _f32)])
    ab = jnp.stack([jnp.asarray(alpha, _f32), jnp.asarray(beta, _f32)])

    s1, cnt1 = _build_hop(True)(X, vg, es, zrow, zhist)
    Xe = _mid(s1, cnt1, degEp)
    s2, _ = _build_hop(False)(Xe, eg, vs, zrow, zhist)
    out = _fin(s2, degVp, X0p, W, ab)
    return out[:N]

# --- scband reference (transcript-rebuilt; emitter-appended) ---
"""Pipeline reference for scband-uni-gcniiconv-30253749633199 (READ-ONLY COPY).

The authoritative reference and input builder live on the scoring server;
editing this copy changes nothing except your own understanding.
"""

import jax, jax.numpy as jnp
import numpy as np

N = 10000
E = 10000
NNZ = 320000
D = 128


def setup_inputs(seed: int = 0) -> dict:
    key = jax.random.key(seed)
    ks = jax.random.split(key, 8)
    X = jax.random.normal(ks[0], (N, D), dtype=jnp.float32)
    X0 = jax.random.normal(ks[1], (N, D), dtype=jnp.float32)
    vertex = jax.random.randint(ks[2], (NNZ,), 0, N, dtype=jnp.int64)
    edges = jax.random.randint(ks[3], (NNZ,), 0, E, dtype=jnp.int64)
    degE = jax.random.uniform(ks[4], (E, 1), dtype=jnp.float32, minval=0.1, maxval=1.0)
    degV = jax.random.uniform(ks[5], (N, 1), dtype=jnp.float32, minval=0.1, maxval=1.0)
    W = jax.random.normal(ks[6], (D, D), dtype=jnp.float32) / jnp.sqrt(D)
    return {"X": X, "vertex": vertex, "edges": edges, "alpha": 0.1, "beta": 0.5,
            "X0": X0, "degE": degE, "degV": degV, "W": W}


def reference(X, vertex, edges, alpha, beta, X0, degE, degV, W):
    # vertex -> hyperedge gather
    Xve = X[vertex]
    # first aggregate: mean over incidence pairs per hyperedge
    sums = jax.ops.segment_sum(Xve, edges, num_segments=E)
    cnt = jax.ops.segment_sum(jnp.ones((NNZ, 1), dtype=X.dtype), edges, num_segments=E)
    Xe = sums / jnp.maximum(cnt, 1.0)
    Xe = Xe * degE
    # hyperedge -> vertex scatter-add
    Xev = Xe[edges]
    Xv = jax.ops.segment_sum(Xev, vertex, num_segments=N)
    Xv = Xv * degV
    Xn = Xv
    # use_norm=True: row-wise L2 normalization (norm detached)
    rownorm = jax.lax.stop_gradient(jnp.linalg.norm(Xn, axis=1, keepdims=True))
    scale = jnp.where(rownorm > 0, 1.0 / rownorm, 0.0)
    Xn = Xn * scale
    Xi = (1.0 - alpha) * Xn + alpha * X0
    out = (1.0 - beta) * Xi + beta * (Xi @ W)
    return out

if __name__ == "__main__":
    import jax
    _d = setup_inputs()
    print(jax.jit(kernel)(*tuple(_d.values())))

</pallas_src>

<mosaic_0001>
#map = affine_map<(d0, d1) -> (0, 0)>
#map1 = affine_map<(d0, d1) -> (0)>
#map2 = affine_map<(d0, d1) -> (0, 0, 0)>
module attributes {stable_mosaic.version = 14 : i64} {
  func.func @_hop_body(%arg0: i32, %arg1: i32, %arg2: memref<10000x128xf32, #tpu.memory_space<hbm>>, %arg3: memref<2560x128xi32, #tpu.memory_space<hbm>>, %arg4: memref<2560x128xi32, #tpu.memory_space<hbm>>, %arg5: memref<128x128xf32, #tpu.memory_space<hbm>>, %arg6: memref<10240xi32, #tpu.memory_space<hbm>>, %arg7: memref<2x10240x128xf32, #tpu.memory_space<hbm>>, %arg8: memref<2x16x10240xi32, #tpu.memory_space<hbm>>, %arg9: memref<8x128xi32, #tpu.memory_space<vmem>>, %arg10: memref<8x128xi32, #tpu.memory_space<vmem>>, %arg11: memref<128x128xf32, #tpu.memory_space<vmem>>, %arg12: memref<10240xi32, #tpu.memory_space<vmem>>, %arg13: memref<10240x128xf32, #tpu.memory_space<vmem_shared>>, %arg14: memref<!tpu.dma_semaphore, #tpu.memory_space<semaphore_mem>>) attributes {dimension_semantics = [#tpu.dimension_semantics<core_parallel>, #tpu.dimension_semantics<subcore_parallel>], iteration_bounds = array<i64: 2, 16>, scalar_prefetch = 0 : i64, scratch_operands = 6 : i64, tpu.core_type = #tpu.core_type<sc_vector_subcore>, window_params = [{transform_indices = #map}, {transform_indices = #map}, {transform_indices = #map}, {transform_indices = #map}, {transform_indices = #map1}, {transform_indices = #map2}, {transform_indices = #map2}]} {
    %mul3A = arith.constant 16 : i32
    %mul3A_0 = arith.muli %arg0, %mul3A : i32
    %add3A = arith.addi %mul3A_0, %arg1 : i32
    "tpu.region"() ({
      %run_scoped3A = tpu.sem_alloc : memref<!tpu.dma_semaphore, #tpu.memory_space<semaphore_mem>>
      tpu.enqueue_dma source(%arg5 : memref<128x128xf32, #tpu.memory_space<hbm>>) target(%arg11 : memref<128x128xf32, #tpu.memory_space<vmem>>) target_semaphore(%run_scoped3A : memref<!tpu.dma_semaphore, #tpu.memory_space<semaphore_mem>>)
      tpu.wait_dma2 semaphore(%run_scoped3A : memref<!tpu.dma_semaphore, #tpu.memory_space<semaphore_mem>>) src(%arg5 : memref<128x128xf32, #tpu.memory_space<hbm>>) dst(%arg11 : memref<128x128xf32, #tpu.memory_space<vmem>>)
      tpu.yield
    }) : () -> ()
    %mul3A_1 = arith.constant 640 : i32
    %mul3A_2 = arith.muli %arg1, %mul3A_1 : i32
    %add3A_3 = arith.constant 0 : i32
    %add3A_4 = arith.addi %mul3A_2, %add3A_3 : i32
    "tpu.region"() ({
      %run_scoped3A = tpu.sem_alloc : memref<!tpu.dma_semaphore, #tpu.memory_space<semaphore_mem>>
      %dma_start3A = arith.constant 0 : i32
      %dma_start3A_47 = tpu.memref_slice %arg13[%add3A_4, %dma_start3A] : memref<10240x128xf32, #tpu.memory_space<vmem_shared>> -> memref<128x128xf32, #tpu.memory_space<vmem_shared>>
      %dma_start3A_48 = arith.constant 0 : i32
      %dma_start3A_49 = tpu.memref_slice %arg13[%add3A_4, %dma_start3A_48] : memref<10240x128xf32, #tpu.memory_space<vmem_shared>> -> memref<128x128xf32, #tpu.memory_space<vmem_shared>>
      tpu.enqueue_dma source(%arg11 : memref<128x128xf32, #tpu.memory_space<vmem>>) target(%dma_start3A_49 : memref<128x128xf32, #tpu.memory_space<vmem_shared>>) target_semaphore(%run_scoped3A : memref<!tpu.dma_semaphore, #tpu.memory_space<semaphore_mem>>)
      %dma_wait3A = arith.constant 0 : i32
      %dma_wait3A_50 = tpu.memref_slice %arg13[%add3A_4, %dma_wait3A] : memref<10240x128xf32, #tpu.memory_space<vmem_shared>> -> memref<128x128xf32, #tpu.memory_space<vmem_shared>>
      %dma_wait3A_51 = arith.constant 0 : i32
      %dma_wait3A_52 = tpu.memref_slice %arg13[%add3A_4, %dma_wait3A_51] : memref<10240x128xf32, #tpu.memory_space<vmem_shared>> -> memref<128x128xf32, #tpu.memory_space<vmem_shared>>
      tpu.wait_dma2 semaphore(%run_scoped3A : memref<!tpu.dma_semaphore, #tpu.memory_space<semaphore_mem>>) src(%arg11 : memref<128x128xf32, #tpu.memory_space<vmem>>) dst(%dma_wait3A_52 : memref<128x128xf32, #tpu.memory_space<vmem_shared>>)
      tpu.yield
    }) : () -> ()
    %mul3A_5 = arith.constant 640 : i32
    %mul3A_6 = arith.muli %arg1, %mul3A_5 : i32
    %add3A_7 = arith.constant 128 : i32
    %add3A_8 = arith.addi %mul3A_6, %add3A_7 : i32
    "tpu.region"() ({
      %run_scoped3A = tpu.sem_alloc : memref<!tpu.dma_semaphore, #tpu.memory_space<semaphore_mem>>
      %dma_start3A = arith.constant 0 : i32
      %dma_start3A_47 = tpu.memref_slice %arg13[%add3A_8, %dma_start3A] : memref<10240x128xf32, #tpu.memory_space<vmem_shared>> -> memref<128x128xf32, #tpu.memory_space<vmem_shared>>
      %dma_start3A_48 = arith.constant 0 : i32
      %dma_start3A_49 = tpu.memref_slice %arg13[%add3A_8, %dma_start3A_48] : memref<10240x128xf32, #tpu.memory_space<vmem_shared>> -> memref<128x128xf32, #tpu.memory_space<vmem_shared>>
      tpu.enqueue_dma source(%arg11 : memref<128x128xf32, #tpu.memory_space<vmem>>) target(%dma_start3A_49 : memref<128x128xf32, #tpu.memory_space<vmem_shared>>) target_semaphore(%run_scoped3A : memref<!tpu.dma_semaphore, #tpu.memory_space<semaphore_mem>>)
      %dma_wait3A = arith.constant 0 : i32
      %dma_wait3A_50 = tpu.memref_slice %arg13[%add3A_8, %dma_wait3A] : memref<10240x128xf32, #tpu.memory_space<vmem_shared>> -> memref<128x128xf32, #tpu.memory_space<vmem_shared>>
      %dma_wait3A_51 = arith.constant 0 : i32
      %dma_wait3A_52 = tpu.memref_slice %arg13[%add3A_8, %dma_wait3A_51] : memref<10240x128xf32, #tpu.memory_space<vmem_shared>> -> memref<128x128xf32, #tpu.memory_space<vmem_shared>>
      tpu.wait_dma2 semaphore(%run_scoped3A : memref<!tpu.dma_semaphore, #tpu.memory_space<semaphore_mem>>) src(%arg11 : memref<128x128xf32, #tpu.memory_space<vmem>>) dst(%dma_wait3A_52 : memref<128x128xf32, #tpu.memory_space<vmem_shared>>)
      tpu.yield
    }) : () -> ()
    %mul3A_9 = arith.constant 640 : i32
    %mul3A_10 = arith.muli %arg1, %mul3A_9 : i32
    %add3A_11 = arith.constant 256 : i32
    %add3A_12 = arith.addi %mul3A_10, %add3A_11 : i32
    "tpu.region"() ({
      %run_scoped3A = tpu.sem_alloc : memref<!tpu.dma_semaphore, #tpu.memory_space<semaphore_mem>>
      %dma_start3A = arith.constant 0 : i32
      %dma_start3A_47 = tpu.memref_slice %arg13[%add3A_12, %dma_start3A] : memref<10240x128xf32, #tpu.memory_space<vmem_shared>> -> memref<128x128xf32, #tpu.memory_space<vmem_shared>>
      %dma_start3A_48 = arith.constant 0 : i32
      %dma_start3A_49 = tpu.memref_slice %arg13[%add3A_12, %dma_start3A_48] : memref<10240x128xf32, #tpu.memory_space<vmem_shared>> -> memref<128x128xf32, #tpu.memory_space<vmem_shared>>
      tpu.enqueue_dma source(%arg11 : memref<128x128xf32, #tpu.memory_space<vmem>>) target(%dma_start3A_49 : memref<128x128xf32, #tpu.memory_space<vmem_shared>>) target_semaphore(%run_scoped3A : memref<!tpu.dma_semaphore, #tpu.memory_space<semaphore_mem>>)
      %dma_wait3A = arith.constant 0 : i32
      %dma_wait3A_50 = tpu.memref_slice %arg13[%add3A_12, %dma_wait3A] : memref<10240x128xf32, #tpu.memory_space<vmem_shared>> -> memref<128x128xf32, #tpu.memory_space<vmem_shared>>
      %dma_wait3A_51 = arith.constant 0 : i32
      %dma_wait3A_52 = tpu.memref_slice %arg13[%add3A_12, %dma_wait3A_51] : memref<10240x128xf32, #tpu.memory_space<vmem_shared>> -> memref<128x128xf32, #tpu.memory_space<vmem_shared>>
      tpu.wait_dma2 semaphore(%run_scoped3A : memref<!tpu.dma_semaphore, #tpu.memory_space<semaphore_mem>>) src(%arg11 : memref<128x128xf32, #tpu.memory_space<vmem>>) dst(%dma_wait3A_52 : memref<128x128xf32, #tpu.memory_space<vmem_shared>>)
      tpu.yield
    }) : () -> ()
    %mul3A_13 = arith.constant 640 : i32
    %mul3A_14 = arith.muli %arg1, %mul3A_13 : i32
    %add3A_15 = arith.constant 384 : i32
    %add3A_16 = arith.addi %mul3A_14, %add3A_15 : i32
    "tpu.region"() ({
      %run_scoped3A = tpu.sem_alloc : memref<!tpu.dma_semaphore, #tpu.memory_space<semaphore_mem>>
      %dma_start3A = arith.constant 0 : i32
      %dma_start3A_47 = tpu.memref_slice %arg13[%add3A_16, %dma_start3A] : memref<10240x128xf32, #tpu.memory_space<vmem_shared>> -> memref<128x128xf32, #tpu.memory_space<vmem_shared>>
      %dma_start3A_48 = arith.constant 0 : i32
      %dma_start3A_49 = tpu.memref_slice %arg13[%add3A_16, %dma_start3A_48] : memref<10240x128xf32, #tpu.memory_space<vmem_shared>> -> memref<128x128xf32, #tpu.memory_space<vmem_shared>>
      tpu.enqueue_dma source(%arg11 : memref<128x128xf32, #tpu.memory_space<vmem>>) target(%dma_start3A_49 : memref<128x128xf32, #tpu.memory_space<vmem_shared>>) target_semaphore(%run_scoped3A : memref<!tpu.dma_semaphore, #tpu.memory_space<semaphore_mem>>)
      %dma_wait3A = arith.constant 0 : i32
      %dma_wait3A_50 = tpu.memref_slice %arg13[%add3A_16, %dma_wait3A] : memref<10240x128xf32, #tpu.memory_space<vmem_shared>> -> memref<128x128xf32, #tpu.memory_space<vmem_shared>>
      %dma_wait3A_51 = arith.constant 0 : i32
      %dma_wait3A_52 = tpu.memref_slice %arg13[%add3A_16, %dma_wait3A_51] : memref<10240x128xf32, #tpu.memory_space<vmem_shared>> -> memref<128x128xf32, #tpu.memory_space<vmem_shared>>
      tpu.wait_dma2 semaphore(%run_scoped3A : memref<!tpu.dma_semaphore, #tpu.memory_space<semaphore_mem>>) src(%arg11 : memref<128x128xf32, #tpu.memory_space<vmem>>) dst(%dma_wait3A_52 : memref<128x128xf32, #tpu.memory_space<vmem_shared>>)
      tpu.yield
    }) : () -> ()
    %mul3A_17 = arith.constant 640 : i32
    %mul3A_18 = arith.muli %arg1, %mul3A_17 : i32
    %add3A_19 = arith.constant 512 : i32
    %add3A_20 = arith.addi %mul3A_18, %add3A_19 : i32
    "tpu.region"() ({
      %run_scoped3A = tpu.sem_alloc : memref<!tpu.dma_semaphore, #tpu.memory_space<semaphore_mem>>
      %dma_start3A = arith.constant 0 : i32
      %dma_start3A_47 = tpu.memref_slice %arg13[%add3A_20, %dma_start3A] : memref<10240x128xf32, #tpu.memory_space<vmem_shared>> -> memref<128x128xf32, #tpu.memory_space<vmem_shared>>
      %dma_start3A_48 = arith.constant 0 : i32
      %dma_start3A_49 = tpu.memref_slice %arg13[%add3A_20, %dma_start3A_48] : memref<10240x128xf32, #tpu.memory_space<vmem_shared>> -> memref<128x128xf32, #tpu.memory_space<vmem_shared>>
      tpu.enqueue_dma source(%arg11 : memref<128x128xf32, #tpu.memory_space<vmem>>) target(%dma_start3A_49 : memref<128x128xf32, #tpu.memory_space<vmem_shared>>) target_semaphore(%run_scoped3A : memref<!tpu.dma_semaphore, #tpu.memory_space<semaphore_mem>>)
      %dma_wait3A = arith.constant 0 : i32
      %dma_wait3A_50 = tpu.memref_slice %arg13[%add3A_20, %dma_wait3A] : memref<10240x128xf32, #tpu.memory_space<vmem_shared>> -> memref<128x128xf32, #tpu.memory_space<vmem_shared>>
      %dma_wait3A_51 = arith.constant 0 : i32
      %dma_wait3A_52 = tpu.memref_slice %arg13[%add3A_20, %dma_wait3A_51] : memref<10240x128xf32, #tpu.memory_space<vmem_shared>> -> memref<128x128xf32, #tpu.memory_space<vmem_shared>>
      tpu.wait_dma2 semaphore(%run_scoped3A : memref<!tpu.dma_semaphore, #tpu.memory_space<semaphore_mem>>) src(%arg11 : memref<128x128xf32, #tpu.memory_space<vmem>>) dst(%dma_wait3A_52 : memref<128x128xf32, #tpu.memory_space<vmem_shared>>)
      tpu.yield
    }) : () -> ()
    "tpu.region"() ({
      %run_scoped3A = tpu.sem_alloc : memref<!tpu.dma_semaphore, #tpu.memory_space<semaphore_mem>>
      tpu.enqueue_dma source(%arg6 : memref<10240xi32, #tpu.memory_space<hbm>>) target(%arg12 : memref<10240xi32, #tpu.memory_space<vmem>>) target_semaphore(%run_scoped3A : memref<!tpu.dma_semaphore, #tpu.memory_space<semaphore_mem>>)
      tpu.wait_dma2 semaphore(%run_scoped3A : memref<!tpu.dma_semaphore, #tpu.memory_space<semaphore_mem>>) src(%arg6 : memref<10240xi32, #tpu.memory_space<hbm>>) dst(%arg12 : memref<10240xi32, #tpu.memory_space<vmem>>)
      tpu.yield
    }) : () -> ()
    %barrier3A = arith.constant 0 : index
    tpu.barrier barrier_id(%barrier3A)
    %scan3A = arith.constant 0 : i32
    %scan3A_21 = arith.constant 0 : i32
    %scan3A_22 = arith.constant 10 : i32
    %scan3A_23 = arith.addi %scan3A_21, %scan3A_22 : i32
    %scan3A_24 = arith.constant 1 : i32
    scf.for %scan3A_47 = %scan3A_21 to %scan3A_23 step %scan3A_24  : i32 {
      %mul3A_48 = arith.constant 80 : i32
      %mul3A_49 = arith.muli %add3A, %mul3A_48 : i32
      %mul3A_50 = arith.constant 8 : i32
      %mul3A_51 = arith.muli %scan3A_47, %mul3A_50 : i32
      %add3A_52 = arith.addi %mul3A_49, %mul3A_51 : i32
      "tpu.region"() ({
        %run_scoped3A = tpu.sem_alloc : memref<!tpu.dma_semaphore, #tpu.memory_space<semaphore_mem>>
        %dma_start3A = arith.constant 0 : i32
        %dma_start3A_59 = tpu.memref_slice %arg3[%add3A_52, %dma_start3A] : memref<2560x128xi32, #tpu.memory_space<hbm>> -> memref<8x128xi32, #tpu.memory_space<hbm>>
        %dma_start3A_60 = arith.constant 0 : i32
        %dma_start3A_61 = tpu.memref_slice %arg3[%add3A_52, %dma_start3A_60] : memref<2560x128xi32, #tpu.memory_space<hbm>> -> memref<8x128xi32, #tpu.memory_space<hbm>>
        tpu.enqueue_dma source(%dma_start3A_61 : memref<8x128xi32, #tpu.memory_space<hbm>>) target(%arg9 : memref<8x128xi32, #tpu.memory_space<vmem>>) target_semaphore(%run_scoped3A : memref<!tpu.dma_semaphore, #tpu.memory_space<semaphore_mem>>)
        %dma_wait3A = arith.constant 0 : i32
        %dma_wait3A_62 = tpu.memref_slice %arg3[%add3A_52, %dma_wait3A] : memref<2560x128xi32, #tpu.memory_space<hbm>> -> memref<8x128xi32, #tpu.memory_space<hbm>>
        %dma_wait3A_63 = arith.constant 0 : i32
        %dma_wait3A_64 = tpu.memref_slice %arg3[%add3A_52, %dma_wait3A_63] : memref<2560x128xi32, #tpu.memory_space<hbm>> -> memref<8x128xi32, #tpu.memory_space<hbm>>
        tpu.wait_dma2 semaphore(%run_scoped3A : memref<!tpu.dma_semaphore, #tpu.memory_space<semaphore_mem>>) src(%dma_wait3A_64 : memref<8x128xi32, #tpu.memory_space<hbm>>) dst(%arg9 : memref<8x128xi32, #tpu.memory_space<vmem>>)
        tpu.yield
      }) : () -> ()
      "tpu.region"() ({
        %run_scoped3A = tpu.sem_alloc : memref<!tpu.dma_semaphore, #tpu.memory_space<semaphore_mem>>
        %dma_start3A = arith.constant 0 : i32
        %dma_start3A_59 = tpu.memref_slice %arg4[%add3A_52, %dma_start3A] : memref<2560x128xi32, #tpu.memory_space<hbm>> -> memref<8x128xi32, #tpu.memory_space<hbm>>
        %dma_start3A_60 = arith.constant 0 : i32
        %dma_start3A_61 = tpu.memref_slice %arg4[%add3A_52, %dma_start3A_60] : memref<2560x128xi32, #tpu.memory_space<hbm>> -> memref<8x128xi32, #tpu.memory_space<hbm>>
        tpu.enqueue_dma source(%dma_start3A_61 : memref<8x128xi32, #tpu.memory_space<hbm>>) target(%arg10 : memref<8x128xi32, #tpu.memory_space<vmem>>) target_semaphore(%run_scoped3A : memref<!tpu.dma_semaphore, #tpu.memory_space<semaphore_mem>>)
        %dma_wait3A = arith.constant 0 : i32
        %dma_wait3A_62 = tpu.memref_slice %arg4[%add3A_52, %dma_wait3A] : memref<2560x128xi32, #tpu.memory_space<hbm>> -> memref<8x128xi32, #tpu.memory_space<hbm>>
        %dma_wait3A_63 = arith.constant 0 : i32
        %dma_wait3A_64 = tpu.memref_slice %arg4[%add3A_52, %dma_wait3A_63] : memref<2560x128xi32, #tpu.memory_space<hbm>> -> memref<8x128xi32, #tpu.memory_space<hbm>>
        tpu.wait_dma2 semaphore(%run_scoped3A : memref<!tpu.dma_semaphore, #tpu.memory_space<semaphore_mem>>) src(%dma_wait3A_64 : memref<8x128xi32, #tpu.memory_space<hbm>>) dst(%arg10 : memref<8x128xi32, #tpu.memory_space<vmem>>)
        tpu.yield
      }) : () -> ()
      %scan3A_53 = arith.constant 0 : i32
      %scan3A_54 = arith.constant 0 : i32
      %scan3A_55 = arith.constant 8 : i32
      %scan3A_56 = arith.addi %scan3A_54, %scan3A_55 : i32
      %scan3A_57 = arith.constant 1 : i32
      scf.for %scan3A_59 = %scan3A_54 to %scan3A_56 step %scan3A_57  : i32 {
        %dma_start3A = arith.constant 0 : i32
        %dma_start3A_60 = tpu.memref_slice %arg9[%scan3A_59, %dma_start3A] : memref<8x128xi32, #tpu.memory_space<vmem>> -> memref<1x128xi32, #tpu.memory_space<vmem>>
        %dma_start3A_61 = tpu.memref_squeeze %dma_start3A_60 : memref<1x128xi32, #tpu.memory_space<vmem>> -> memref<128xi32, #tpu.memory_space<vmem>>
        %dma_start3A_62 = arith.constant 0 : i32
        %dma_start3A_63 = arith.constant 0 : i32
        %dma_start3A_64 = tpu.memref_slice %arg2[%dma_start3A_62, %dma_start3A_63] : memref<10000x128xf32, #tpu.memory_space<hbm>> -> memref<10000x128xf32, #tpu.memory_space<hbm>>
        tpu.enqueue_indirect_dma source(%dma_start3A_64 : memref<10000x128xf32, #tpu.memory_space<hbm>>) target(%arg11 : memref<128x128xf32, #tpu.memory_space<vmem>>) offsets(%dma_start3A_61 : memref<128xi32, #tpu.memory_space<vmem>>) semaphore(%arg14 : memref<!tpu.dma_semaphore, #tpu.memory_space<semaphore_mem>>)
        %dma_wait3A = arith.constant 0 : i32
        %dma_wait3A_65 = tpu.memref_slice %arg9[%scan3A_59, %dma_wait3A] : memref<8x128xi32, #tpu.memory_space<vmem>> -> memref<1x128xi32, #tpu.memory_space<vmem>>
        %dma_wait3A_66 = tpu.memref_squeeze %dma_wait3A_65 : memref<1x128xi32, #tpu.memory_space<vmem>> -> memref<128xi32, #tpu.memory_space<vmem>>
        %dma_wait3A_67 = arith.constant 0 : i32
        %dma_wait3A_68 = arith.constant 0 : i32
        %dma_wait3A_69 = tpu.memref_slice %arg2[%dma_wait3A_67, %dma_wait3A_68] : memref<10000x128xf32, #tpu.memory_space<hbm>> -> memref<10000x128xf32, #tpu.memory_space<hbm>>
        tpu.wait_indirect_dma semaphore(%arg14 : memref<!tpu.dma_semaphore, #tpu.memory_space<semaphore_mem>>) src(%dma_wait3A_69 : memref<10000x128xf32, #tpu.memory_space<hbm>>) dst(%arg11 : memref<128x128xf32, #tpu.memory_space<vmem>>)
        "tpu.region"() ({
          %run_scoped3A = tpu.sem_alloc : memref<!tpu.dma_semaphore, #tpu.memory_space<semaphore_mem>>
          %dma_start3A_123 = arith.constant 0 : i32
          %dma_start3A_124 = tpu.memref_slice %arg10[%scan3A_59, %dma_start3A_123] : memref<8x128xi32, #tpu.memory_space<vmem>> -> memref<1x128xi32, #tpu.memory_space<vmem>>
          %dma_start3A_125 = tpu.memref_squeeze %dma_start3A_124 : memref<1x128xi32, #tpu.memory_space<vmem>> -> memref<128xi32, #tpu.memory_space<vmem>>
          %dma_start3A_126 = arith.constant 0 : i32
          %dma_start3A_127 = arith.constant 0 : i32
          %dma_start3A_128 = tpu.memref_slice %arg13[%dma_start3A_126, %dma_start3A_127] : memref<10240x128xf32, #tpu.memory_space<vmem_shared>> -> memref<10240x128xf32, #tpu.memory_space<vmem_shared>>
          tpu.enqueue_indirect_dma source(%arg11 : memref<128x128xf32, #tpu.memory_space<vmem>>) target(%dma_start3A_128 : memref<10240x128xf32, #tpu.memory_space<vmem_shared>>) offsets(%dma_start3A_125 : memref<128xi32, #tpu.memory_space<vmem>>) semaphore(%run_scoped3A : memref<!tpu.dma_semaphore, #tpu.memory_space<semaphore_mem>>) {add = true}
          %dma_wait3A_129 = arith.constant 0 : i32
          %dma_wait3A_130 = tpu.memref_slice %arg10[%scan3A_59, %dma_wait3A_129] : memref<8x128xi32, #tpu.memory_space<vmem>> -> memref<1x128xi32, #tpu.memory_space<vmem>>
          %dma_wait3A_131 = tpu.memref_squeeze %dma_wait3A_130 : memref<1x128xi32, #tpu.memory_space<vmem>> -> memref<128xi32, #tpu.memory_space<vmem>>
          %dma_wait3A_132 = arith.constant 0 : i32
          %dma_wait3A_133 = arith.constant 0 : i32
          %dma_wait3A_134 = tpu.memref_slice %arg13[%dma_wait3A_132, %dma_wait3A_133] : memref<10240x128xf32, #tpu.memory_space<vmem_shared>> -> memref<10240x128xf32, #tpu.memory_space<vmem_shared>>
          tpu.wait_indirect_dma semaphore(%run_scoped3A : memref<!tpu.dma_semaphore, #tpu.memory_space<semaphore_mem>>) src(%arg11 : memref<128x128xf32, #tpu.memory_space<vmem>>) dst(%dma_wait3A_134 : memref<10240x128xf32, #tpu.memory_space<vmem_shared>>)
          tpu.yield
        }) : () -> ()
        %get3A = arith.index_cast %scan3A_59 : i32 to index
        %get3A_70 = arith.constant 0 : index
        %get3A_71 = tpu.vector_load %arg10[%get3A, %get3A_70] {strides = array<i32>} : memref<8x128xi32, #tpu.memory_space<vmem>>, vector<16xi32>,
        %broadcast_in_dim3A = arith.constant true
        %broadcast_in_dim3A_72 = vector.broadcast %broadcast_in_dim3A : i1 to vector<16xi1>
        %unique3A, %unique3A_73 = tpu.scan_count mask(%broadcast_in_dim3A_72 : vector<16xi1>) value(%get3A_71 : vector<16xi32>) : vector<16xi1>, vector<16xi32>
        tpu.vector_store_idx %arg12[%get3A_71], %unique3A_73 masked %unique3A {add = true} : memref<10240xi32, #tpu.memory_space<vmem>>[vector<16xi32>], vector<16xi32>, vector<16xi1>
        %get3A_74 = arith.index_cast %scan3A_59 : i32 to index
        %get3A_75 = arith.constant 16 : index
        %get3A_76 = tpu.vector_load %arg10[%get3A_74, %get3A_75] {strides = array<i32>} : memref<8x128xi32, #tpu.memory_space<vmem>>, vector<16xi32>,
        %broadcast_in_dim3A_77 = arith.constant true
        %broadcast_in_dim3A_78 = vector.broadcast %broadcast_in_dim3A_77 : i1 to vector<16xi1>
        %unique3A_79, %unique3A_80 = tpu.scan_count mask(%broadcast_in_dim3A_78 : vector<16xi1>) value(%get3A_76 : vector<16xi32>) : vector<16xi1>, vector<16xi32>
        tpu.vector_store_idx %arg12[%get3A_76], %unique3A_80 masked %unique3A_79 {add = true} : memref<10240xi32, #tpu.memory_space<vmem>>[vector<16xi32>], vector<16xi32>, vector<16xi1>
        %get3A_81 = arith.index_cast %scan3A_59 : i32 to index
        %get3A_82 = arith.constant 32 : index
        %get3A_83 = tpu.vector_load %arg10[%get3A_81, %get3A_82] {strides = array<i32>} : memref<8x128xi32, #tpu.memory_space<vmem>>, vector<16xi32>,
        %broadcast_in_dim3A_84 = arith.constant true
        %broadcast_in_dim3A_85 = vector.broadcast %broadcast_in_dim3A_84 : i1 to vector<16xi1>
        %unique3A_86, %unique3A_87 = tpu.scan_count mask(%broadcast_in_dim3A_85 : vector<16xi1>) value(%get3A_83 : vector<16xi32>) : vector<16xi1>, vector<16xi32>
        tpu.vector_store_idx %arg12[%get3A_83], %unique3A_87 masked %unique3A_86 {add = true} : memref<10240xi32, #tpu.memory_space<vmem>>[vector<16xi32>], vector<16xi32>, vector<16xi1>
        %get3A_88 = arith.index_cast %scan3A_59 : i32 to index
        %get3A_89 = arith.constant 48 : index
        %get3A_90 = tpu.vector_load %arg10[%get3A_88, %get3A_89] {strides = array<i32>} : memref<8x128xi32, #tpu.memory_space<vmem>>, vector<16xi32>,
        %broadcast_in_dim3A_91 = arith.constant true
        %broadcast_in_dim3A_92 = vector.broadcast %broadcast_in_dim3A_91 : i1 to vector<16xi1>
        %unique3A_93, %unique3A_94 = tpu.scan_count mask(%broadcast_in_dim3A_92 : vector<16xi1>) value(%get3A_90 : vector<16xi32>) : vector<16xi1>, vector<16xi32>
        tpu.vector_store_idx %arg12[%get3A_90], %unique3A_94 masked %unique3A_93 {add = true} : memref<10240xi32, #tpu.memory_space<vmem>>[vector<16xi32>], vector<16xi32>, vector<16xi1>
        %get3A_95 = arith.index_cast %scan3A_59 : i32 to index
        %get3A_96 = arith.constant 64 : index
        %get3A_97 = tpu.vector_load %arg10[%get3A_95, %get3A_96] {strides = array<i32>} : memref<8x128xi32, #tpu.memory_space<vmem>>, vector<16xi32>,
        %broadcast_in_dim3A_98 = arith.constant true
        %broadcast_in_dim3A_99 = vector.broadcast %broadcast_in_dim3A_98 : i1 to vector<16xi1>
        %unique3A_100, %unique3A_101 = tpu.scan_count mask(%broadcast_in_dim3A_99 : vector<16xi1>) value(%get3A_97 : vector<16xi32>) : vector<16xi1>, vector<16xi32>
        tpu.vector_store_idx %arg12[%get3A_97], %unique3A_101 masked %unique3A_100 {add = true} : memref<10240xi32, #tpu.memory_space<vmem>>[vector<16xi32>], vector<16xi32>, vector<16xi1>
        %get3A_102 = arith.index_cast %scan3A_59 : i32 to index
        %get3A_103 = arith.constant 80 : index
        %get3A_104 = tpu.vector_load %arg10[%get3A_102, %get3A_103] {strides = array<i32>} : memref<8x128xi32, #tpu.memory_space<vmem>>, vector<16xi32>,
        %broadcast_in_dim3A_105 = arith.constant true
        %broadcast_in_dim3A_106 = vector.broadcast %broadcast_in_dim3A_105 : i1 to vector<16xi1>
        %unique3A_107, %unique3A_108 = tpu.scan_count mask(%broadcast_in_dim3A_106 : vector<16xi1>) value(%get3A_104 : vector<16xi32>) : vector<16xi1>, vector<16xi32>
        tpu.vector_store_idx %arg12[%get3A_104], %unique3A_108 masked %unique3A_107 {add = true} : memref<10240xi32, #tpu.memory_space<vmem>>[vector<16xi32>], vector<16xi32>, vector<16xi1>
        %get3A_109 = arith.index_cast %scan3A_59 : i32 to index
        %get3A_110 = arith.constant 96 : index
        %get3A_111 = tpu.vector_load %arg10[%get3A_109, %get3A_110] {strides = array<i32>} : memref<8x128xi32, #tpu.memory_space<vmem>>, vector<16xi32>,
        %broadcast_in_dim3A_112 = arith.constant true
        %broadcast_in_dim3A_113 = vector.broadcast %broadcast_in_dim3A_112 : i1 to vector<16xi1>
        %unique3A_114, %unique3A_115 = tpu.scan_count mask(%broadcast_in_dim3A_113 : vector<16xi1>) value(%get3A_111 : vector<16xi32>) : vector<16xi1>, vector<16xi32>
        tpu.vector_store_idx %arg12[%get3A_111], %unique3A_115 masked %unique3A_114 {add = true} : memref<10240xi32, #tpu.memory_space<vmem>>[vector<16xi32>], vector<16xi32>, vector<16xi1>
        %get3A_116 = arith.index_cast %scan3A_59 : i32 to index
        %get3A_117 = arith.constant 112 : index
        %get3A_118 = tpu.vector_load %arg10[%get3A_116, %get3A_117] {strides = array<i32>} : memref<8x128xi32, #tpu.memory_space<vmem>>, vector<16xi32>,
        %broadcast_in_dim3A_119 = arith.constant true
        %broadcast_in_dim3A_120 = vector.broadcast %broadcast_in_dim3A_119 : i1 to vector<16xi1>
        %unique3A_121, %unique3A_122 = tpu.scan_count mask(%broadcast_in_dim3A_120 : vector<16xi1>) value(%get3A_118 : vector<16xi32>) : vector<16xi1>, vector<16xi32>
        tpu.vector_store_idx %arg12[%get3A_118], %unique3A_122 masked %unique3A_121 {add = true} : memref<10240xi32, #tpu.memory_space<vmem>>[vector<16xi32>], vector<16xi32>, vector<16xi1>
      }
      %scan3A_58 = arith.constant 8 : i32
    }
    %scan3A_25 = arith.constant 10 : i32
    %barrier3A_26 = arith.constant 0 : index
    tpu.barrier barrier_id(%barrier3A_26)
    %mul3A_27 = arith.constant 640 : i32
    %mul3A_28 = arith.muli %arg1, %mul3A_27 : i32
    %add3A_29 = arith.constant 0 : i32
    %add3A_30 = arith.addi %mul3A_28, %add3A_29 : i32
    "tpu.region"() ({
      %run_scoped3A = tpu.sem_alloc : memref<!tpu.dma_semaphore, #tpu.memory_space<semaphore_mem>>
      %dma_start3A = arith.constant 0 : i32
      %dma_start3A_47 = tpu.memref_slice %arg13[%add3A_30, %dma_start3A] : memref<10240x128xf32, #tpu.memory_space<vmem_shared>> -> memref<128x128xf32, #tpu.memory_space<vmem_shared>>
      %dma_start3A_48 = arith.constant 0 : i32
      %dma_start3A_49 = tpu.memref_slice %arg13[%add3A_30, %dma_start3A_48] : memref<10240x128xf32, #tpu.memory_space<vmem_shared>> -> memref<128x128xf32, #tpu.memory_space<vmem_shared>>
      tpu.enqueue_dma source(%dma_start3A_49 : memref<128x128xf32, #tpu.memory_space<vmem_shared>>) target(%arg11 : memref<128x128xf32, #tpu.memory_space<vmem>>) target_semaphore(%run_scoped3A : memref<!tpu.dma_semaphore, #tpu.memory_space<semaphore_mem>>)
      %dma_wait3A = arith.constant 0 : i32
      %dma_wait3A_50 = tpu.memref_slice %arg13[%add3A_30, %dma_wait3A] : memref<10240x128xf32, #tpu.memory_space<vmem_shared>> -> memref<128x128xf32, #tpu.memory_space<vmem_shared>>
      %dma_wait3A_51 = arith.constant 0 : i32
      %dma_wait3A_52 = tpu.memref_slice %arg13[%add3A_30, %dma_wait3A_51] : memref<10240x128xf32, #tpu.memory_space<vmem_shared>> -> memref<128x128xf32, #tpu.memory_space<vmem_shared>>
      tpu.wait_dma2 semaphore(%run_scoped3A : memref<!tpu.dma_semaphore, #tpu.memory_space<semaphore_mem>>) src(%dma_wait3A_52 : memref<128x128xf32, #tpu.memory_space<vmem_shared>>) dst(%arg11 : memref<128x128xf32, #tpu.memory_space<vmem>>)
      tpu.yield
    }) : () -> ()
    "tpu.region"() ({
      %run_scoped3A = tpu.sem_alloc : memref<!tpu.dma_semaphore, #tpu.memory_space<semaphore_mem>>
      %dma_start3A = arith.constant 0 : i32
      %dma_start3A_47 = tpu.memref_slice %arg7[%arg0, %add3A_30, %dma_start3A] : memref<2x10240x128xf32, #tpu.memory_space<hbm>> -> memref<1x128x128xf32, #tpu.memory_space<hbm>>
      %dma_start3A_48 = tpu.memref_squeeze %dma_start3A_47 : memref<1x128x128xf32, #tpu.memory_space<hbm>> -> memref<128x128xf32, #tpu.memory_space<hbm>>
      %dma_start3A_49 = arith.constant 0 : i32
      %dma_start3A_50 = tpu.memref_slice %arg7[%arg0, %add3A_30, %dma_start3A_49] : memref<2x10240x128xf32, #tpu.memory_space<hbm>> -> memref<1x128x128xf32, #tpu.memory_space<hbm>>
      %dma_start3A_51 = tpu.memref_squeeze %dma_start3A_50 : memref<1x128x128xf32, #tpu.memory_space<hbm>> -> memref<128x128xf32, #tpu.memory_space<hbm>>
      tpu.enqueue_dma source(%arg11 : memref<128x128xf32, #tpu.memory_space<vmem>>) target(%dma_start3A_51 : memref<128x128xf32, #tpu.memory_space<hbm>>) target_semaphore(%run_scoped3A : memref<!tpu.dma_semaphore, #tpu.memory_space<semaphore_mem>>)
      %dma_wait3A = arith.constant 0 : i32
      %dma_wait3A_52 = tpu.memref_slice %arg7[%arg0, %add3A_30, %dma_wait3A] : memref<2x10240x128xf32, #tpu.memory_space<hbm>> -> memref<1x128x128xf32, #tpu.memory_space<hbm>>
      %dma_wait3A_53 = tpu.memref_squeeze %dma_wait3A_52 : memref<1x128x128xf32, #tpu.memory_space<hbm>> -> memref<128x128xf32, #tpu.memory_space<hbm>>
      %dma_wait3A_54 = arith.constant 0 : i32
      %dma_wait3A_55 = tpu.memref_slice %arg7[%arg0, %add3A_30, %dma_wait3A_54] : memref<2x10240x128xf32, #tpu.memory_space<hbm>> -> memref<1x128x128xf32, #tpu.memory_space<hbm>>
      %dma_wait3A_56 = tpu.memref_squeeze %dma_wait3A_55 : memref<1x128x128xf32, #tpu.memory_space<hbm>> -> memref<128x128xf32, #tpu.memory_space<hbm>>
      tpu.wait_dma2 semaphore(%run_scoped3A : memref<!tpu.dma_semaphore, #tpu.memory_space<semaphore_mem>>) src(%arg11 : memref<128x128xf32, #tpu.memory_space<vmem>>) dst(%dma_wait3A_56 : memref<128x128xf32, #tpu.memory_space<hbm>>)
      tpu.yield
    }) : () -> ()
    %mul3A_31 = arith.constant 640 : i32
    %mul3A_32 = arith.muli %arg1, %mul3A_31 : i32
    %add3A_33 = arith.constant 128 : i32
    %add3A_34 = arith.addi %mul3A_32, %add3A_33 : i32
    "tpu.region"() ({
      %run_scoped3A = tpu.sem_alloc : memref<!tpu.dma_semaphore, #tpu.memory_space<semaphore_mem>>
      %dma_start3A = arith.constant 0 : i32
      %dma_start3A_47 = tpu.memref_slice %arg13[%add3A_34, %dma_start3A] : memref<10240x128xf32, #tpu.memory_space<vmem_shared>> -> memref<128x128xf32, #tpu.memory_space<vmem_shared>>
      %dma_start3A_48 = arith.constant 0 : i32
      %dma_start3A_49 = tpu.memref_slice %arg13[%add3A_34, %dma_start3A_48] : memref<10240x128xf32, #tpu.memory_space<vmem_shared>> -> memref<128x128xf32, #tpu.memory_space<vmem_shared>>
      tpu.enqueue_dma source(%dma_start3A_49 : memref<128x128xf32, #tpu.memory_space<vmem_shared>>) target(%arg11 : memref<128x128xf32, #tpu.memory_space<vmem>>) target_semaphore(%run_scoped3A : memref<!tpu.dma_semaphore, #tpu.memory_space<semaphore_mem>>)
      %dma_wait3A = arith.constant 0 : i32
      %dma_wait3A_50 = tpu.memref_slice %arg13[%add3A_34, %dma_wait3A] : memref<10240x128xf32, #tpu.memory_space<vmem_shared>> -> memref<128x128xf32, #tpu.memory_space<vmem_shared>>
      %dma_wait3A_51 = arith.constant 0 : i32
      %dma_wait3A_52 = tpu.memref_slice %arg13[%add3A_34, %dma_wait3A_51] : memref<10240x128xf32, #tpu.memory_space<vmem_shared>> -> memref<128x128xf32, #tpu.memory_space<vmem_shared>>
      tpu.wait_dma2 semaphore(%run_scoped3A : memref<!tpu.dma_semaphore, #tpu.memory_space<semaphore_mem>>) src(%dma_wait3A_52 : memref<128x128xf32, #tpu.memory_space<vmem_shared>>) dst(%arg11 : memref<128x128xf32, #tpu.memory_space<vmem>>)
      tpu.yield
    }) : () -> ()
    "tpu.region"() ({
      %run_scoped3A = tpu.sem_alloc : memref<!tpu.dma_semaphore, #tpu.memory_space<semaphore_mem>>
      %dma_start3A = arith.constant 0 : i32
      %dma_start3A_47 = tpu.memref_slice %arg7[%arg0, %add3A_34, %dma_start3A] : memref<2x10240x128xf32, #tpu.memory_space<hbm>> -> memref<1x128x128xf32, #tpu.memory_space<hbm>>
      %dma_start3A_48 = tpu.memref_squeeze %dma_start3A_47 : memref<1x128x128xf32, #tpu.memory_space<hbm>> -> memref<128x128xf32, #tpu.memory_space<hbm>>
      %dma_start3A_49 = arith.constant 0 : i32
      %dma_start3A_50 = tpu.memref_slice %arg7[%arg0, %add3A_34, %dma_start3A_49] : memref<2x10240x128xf32, #tpu.memory_space<hbm>> -> memref<1x128x128xf32, #tpu.memory_space<hbm>>
      %dma_start3A_51 = tpu.memref_squeeze %dma_start3A_50 : memref<1x128x128xf32, #tpu.memory_space<hbm>> -> memref<128x128xf32, #tpu.memory_space<hbm>>
      tpu.enqueue_dma source(%arg11 : memref<128x128xf32, #tpu.memory_space<vmem>>) target(%dma_start3A_51 : memref<128x128xf32, #tpu.memory_space<hbm>>) target_semaphore(%run_scoped3A : memref<!tpu.dma_semaphore, #tpu.memory_space<semaphore_mem>>)
      %dma_wait3A = arith.constant 0 : i32
      %dma_wait3A_52 = tpu.memref_slice %arg7[%arg0, %add3A_34, %dma_wait3A] : memref<2x10240x128xf32, #tpu.memory_space<hbm>> -> memref<1x128x128xf32, #tpu.memory_space<hbm>>
      %dma_wait3A_53 = tpu.memref_squeeze %dma_wait3A_52 : memref<1x128x128xf32, #tpu.memory_space<hbm>> -> memref<128x128xf32, #tpu.memory_space<hbm>>
      %dma_wait3A_54 = arith.constant 0 : i32
      %dma_wait3A_55 = tpu.memref_slice %arg7[%arg0, %add3A_34, %dma_wait3A_54] : memref<2x10240x128xf32, #tpu.memory_space<hbm>> -> memref<1x128x128xf32, #tpu.memory_space<hbm>>
      %dma_wait3A_56 = tpu.memref_squeeze %dma_wait3A_55 : memref<1x128x128xf32, #tpu.memory_space<hbm>> -> memref<128x128xf32, #tpu.memory_space<hbm>>
      tpu.wait_dma2 semaphore(%run_scoped3A : memref<!tpu.dma_semaphore, #tpu.memory_space<semaphore_mem>>) src(%arg11 : memref<128x128xf32, #tpu.memory_space<vmem>>) dst(%dma_wait3A_56 : memref<128x128xf32, #tpu.memory_space<hbm>>)
      tpu.yield
    }) : () -> ()
    %mul3A_35 = arith.constant 640 : i32
    %mul3A_36 = arith.muli %arg1, %mul3A_35 : i32
    %add3A_37 = arith.constant 256 : i32
    %add3A_38 = arith.addi %mul3A_36, %add3A_37 : i32
    "tpu.region"() ({
      %run_scoped3A = tpu.sem_alloc : memref<!tpu.dma_semaphore, #tpu.memory_space<semaphore_mem>>
      %dma_start3A = arith.constant 0 : i32
      %dma_start3A_47 = tpu.memref_slice %arg13[%add3A_38, %dma_start3A] : memref<10240x128xf32, #tpu.memory_space<vmem_shared>> -> memref<128x128xf32, #tpu.memory_space<vmem_shared>>
      %dma_start3A_48 = arith.constant 0 : i32
      %dma_start3A_49 = tpu.memref_slice %arg13[%add3A_38, %dma_start3A_48] : memref<10240x128xf32, #tpu.memory_space<vmem_shared>> -> memref<128x128xf32, #tpu.memory_space<vmem_shared>>
      tpu.enqueue_dma source(%dma_start3A_49 : memref<128x128xf32, #tpu.memory_space<vmem_shared>>) target(%arg11 : memref<128x128xf32, #tpu.memory_space<vmem>>) target_semaphore(%run_scoped3A : memref<!tpu.dma_semaphore, #tpu.memory_space<semaphore_mem>>)
      %dma_wait3A = arith.constant 0 : i32
      %dma_wait3A_50 = tpu.memref_slice %arg13[%add3A_38, %dma_wait3A] : memref<10240x128xf32, #tpu.memory_space<vmem_shared>> -> memref<128x128xf32, #tpu.memory_space<vmem_shared>>
      %dma_wait3A_51 = arith.constant 0 : i32
      %dma_wait3A_52 = tpu.memref_slice %arg13[%add3A_38, %dma_wait3A_51] : memref<10240x128xf32, #tpu.memory_space<vmem_shared>> -> memref<128x128xf32, #tpu.memory_space<vmem_shared>>
      tpu.wait_dma2 semaphore(%run_scoped3A : memref<!tpu.dma_semaphore, #tpu.memory_space<semaphore_mem>>) src(%dma_wait3A_52 : memref<128x128xf32, #tpu.memory_space<vmem_shared>>) dst(%arg11 : memref<128x128xf32, #tpu.memory_space<vmem>>)
      tpu.yield
    }) : () -> ()
    "tpu.region"() ({
      %run_scoped3A = tpu.sem_alloc : memref<!tpu.dma_semaphore, #tpu.memory_space<semaphore_mem>>
      %dma_start3A = arith.constant 0 : i32
      %dma_start3A_47 = tpu.memref_slice %arg7[%arg0, %add3A_38, %dma_start3A] : memref<2x10240x128xf32, #tpu.memory_space<hbm>> -> memref<1x128x128xf32, #tpu.memory_space<hbm>>
      %dma_start3A_48 = tpu.memref_squeeze %dma_start3A_47 : memref<1x128x128xf32, #tpu.memory_space<hbm>> -> memref<128x128xf32, #tpu.memory_space<hbm>>
      %dma_start3A_49 = arith.constant 0 : i32
      %dma_start3A_50 = tpu.memref_slice %arg7[%arg0, %add3A_38, %dma_start3A_49] : memref<2x10240x128xf32, #tpu.memory_space<hbm>> -> memref<1x128x128xf32, #tpu.memory_space<hbm>>
      %dma_start3A_51 = tpu.memref_squeeze %dma_start3A_50 : memref<1x128x128xf32, #tpu.memory_space<hbm>> -> memref<128x128xf32, #tpu.memory_space<hbm>>
      tpu.enqueue_dma source(%arg11 : memref<128x128xf32, #tpu.memory_space<vmem>>) target(%dma_start3A_51 : memref<128x128xf32, #tpu.memory_space<hbm>>) target_semaphore(%run_scoped3A : memref<!tpu.dma_semaphore, #tpu.memory_space<semaphore_mem>>)
      %dma_wait3A = arith.constant 0 : i32
      %dma_wait3A_52 = tpu.memref_slice %arg7[%arg0, %add3A_38, %dma_wait3A] : memref<2x10240x128xf32, #tpu.memory_space<hbm>> -> memref<1x128x128xf32, #tpu.memory_space<hbm>>
      %dma_wait3A_53 = tpu.memref_squeeze %dma_wait3A_52 : memref<1x128x128xf32, #tpu.memory_space<hbm>> -> memref<128x128xf32, #tpu.memory_space<hbm>>
      %dma_wait3A_54 = arith.constant 0 : i32
      %dma_wait3A_55 = tpu.memref_slice %arg7[%arg0, %add3A_38, %dma_wait3A_54] : memref<2x10240x128xf32, #tpu.memory_space<hbm>> -> memref<1x128x128xf32, #tpu.memory_space<hbm>>
      %dma_wait3A_56 = tpu.memref_squeeze %dma_wait3A_55 : memref<1x128x128xf32, #tpu.memory_space<hbm>> -> memref<128x128xf32, #tpu.memory_space<hbm>>
      tpu.wait_dma2 semaphore(%run_scoped3A : memref<!tpu.dma_semaphore, #tpu.memory_space<semaphore_mem>>) src(%arg11 : memref<128x128xf32, #tpu.memory_space<vmem>>) dst(%dma_wait3A_56 : memref<128x128xf32, #tpu.memory_space<hbm>>)
      tpu.yield
    }) : () -> ()
    %mul3A_39 = arith.constant 640 : i32
    %mul3A_40 = arith.muli %arg1, %mul3A_39 : i32
    %add3A_41 = arith.constant 384 : i32
    %add3A_42 = arith.addi %mul3A_40, %add3A_41 : i32
    "tpu.region"() ({
      %run_scoped3A = tpu.sem_alloc : memref<!tpu.dma_semaphore, #tpu.memory_space<semaphore_mem>>
      %dma_start3A = arith.constant 0 : i32
      %dma_start3A_47 = tpu.memref_slice %arg13[%add3A_42, %dma_start3A] : memref<10240x128xf32, #tpu.memory_space<vmem_shared>> -> memref<128x128xf32, #tpu.memory_space<vmem_shared>>
      %dma_start3A_48 = arith.constant 0 : i32
      %dma_start3A_49 = tpu.memref_slice %arg13[%add3A_42, %dma_start3A_48] : memref<10240x128xf32, #tpu.memory_space<vmem_shared>> -> memref<128x128xf32, #tpu.memory_space<vmem_shared>>
      tpu.enqueue_dma source(%dma_start3A_49 : memref<128x128xf32, #tpu.memory_space<vmem_shared>>) target(%arg11 : memref<128x128xf32, #tpu.memory_space<vmem>>) target_semaphore(%run_scoped3A : memref<!tpu.dma_semaphore, #tpu.memory_space<semaphore_mem>>)
      %dma_wait3A = arith.constant 0 : i32
      %dma_wait3A_50 = tpu.memref_slice %arg13[%add3A_42, %dma_wait3A] : memref<10240x128xf32, #tpu.memory_space<vmem_shared>> -> memref<128x128xf32, #tpu.memory_space<vmem_shared>>
      %dma_wait3A_51 = arith.constant 0 : i32
      %dma_wait3A_52 = tpu.memref_slice %arg13[%add3A_42, %dma_wait3A_51] : memref<10240x128xf32, #tpu.memory_space<vmem_shared>> -> memref<128x128xf32, #tpu.memory_space<vmem_shared>>
      tpu.wait_dma2 semaphore(%run_scoped3A : memref<!tpu.dma_semaphore, #tpu.memory_space<semaphore_mem>>) src(%dma_wait3A_52 : memref<128x128xf32, #tpu.memory_space<vmem_shared>>) dst(%arg11 : memref<128x128xf32, #tpu.memory_space<vmem>>)
      tpu.yield
    }) : () -> ()
    "tpu.region"() ({
      %run_scoped3A = tpu.sem_alloc : memref<!tpu.dma_semaphore, #tpu.memory_space<semaphore_mem>>
      %dma_start3A = arith.constant 0 : i32
      %dma_start3A_47 = tpu.memref_slice %arg7[%arg0, %add3A_42, %dma_start3A] : memref<2x10240x128xf32, #tpu.memory_space<hbm>> -> memref<1x128x128xf32, #tpu.memory_space<hbm>>
      %dma_start3A_48 = tpu.memref_squeeze %dma_start3A_47 : memref<1x128x128xf32, #tpu.memory_space<hbm>> -> memref<128x128xf32, #tpu.memory_space<hbm>>
      %dma_start3A_49 = arith.constant 0 : i32
      %dma_start3A_50 = tpu.memref_slice %arg7[%arg0, %add3A_42, %dma_start3A_49] : memref<2x10240x128xf32, #tpu.memory_space<hbm>> -> memref<1x128x128xf32, #tpu.memory_space<hbm>>
      %dma_start3A_51 = tpu.memref_squeeze %dma_start3A_50 : memref<1x128x128xf32, #tpu.memory_space<hbm>> -> memref<128x128xf32, #tpu.memory_space<hbm>>
      tpu.enqueue_dma source(%arg11 : memref<128x128xf32, #tpu.memory_space<vmem>>) target(%dma_start3A_51 : memref<128x128xf32, #tpu.memory_space<hbm>>) target_semaphore(%run_scoped3A : memref<!tpu.dma_semaphore, #tpu.memory_space<semaphore_mem>>)
      %dma_wait3A = arith.constant 0 : i32
      %dma_wait3A_52 = tpu.memref_slice %arg7[%arg0, %add3A_42, %dma_wait3A] : memref<2x10240x128xf32, #tpu.memory_space<hbm>> -> memref<1x128x128xf32, #tpu.memory_space<hbm>>
      %dma_wait3A_53 = tpu.memref_squeeze %dma_wait3A_52 : memref<1x128x128xf32, #tpu.memory_space<hbm>> -> memref<128x128xf32, #tpu.memory_space<hbm>>
      %dma_wait3A_54 = arith.constant 0 : i32
      %dma_wait3A_55 = tpu.memref_slice %arg7[%arg0, %add3A_42, %dma_wait3A_54] : memref<2x10240x128xf32, #tpu.memory_space<hbm>> -> memref<1x128x128xf32, #tpu.memory_space<hbm>>
      %dma_wait3A_56 = tpu.memref_squeeze %dma_wait3A_55 : memref<1x128x128xf32, #tpu.memory_space<hbm>> -> memref<128x128xf32, #tpu.memory_space<hbm>>
      tpu.wait_dma2 semaphore(%run_scoped3A : memref<!tpu.dma_semaphore, #tpu.memory_space<semaphore_mem>>) src(%arg11 : memref<128x128xf32, #tpu.memory_space<vmem>>) dst(%dma_wait3A_56 : memref<128x128xf32, #tpu.memory_space<hbm>>)
      tpu.yield
    }) : () -> ()
    %mul3A_43 = arith.constant 640 : i32
    %mul3A_44 = arith.muli %arg1, %mul3A_43 : i32
    %add3A_45 = arith.constant 512 : i32
    %add3A_46 = arith.addi %mul3A_44, %add3A_45 : i32
    "tpu.region"() ({
      %run_scoped3A = tpu.sem_alloc : memref<!tpu.dma_semaphore, #tpu.memory_space<semaphore_mem>>
      %dma_start3A = arith.constant 0 : i32
      %dma_start3A_47 = tpu.memref_slice %arg13[%add3A_46, %dma_start3A] : memref<10240x128xf32, #tpu.memory_space<vmem_shared>> -> memref<128x128xf32, #tpu.memory_space<vmem_shared>>
      %dma_start3A_48 = arith.constant 0 : i32
      %dma_start3A_49 = tpu.memref_slice %arg13[%add3A_46, %dma_start3A_48] : memref<10240x128xf32, #tpu.memory_space<vmem_shared>> -> memref<128x128xf32, #tpu.memory_space<vmem_shared>>
      tpu.enqueue_dma source(%dma_start3A_49 : memref<128x128xf32, #tpu.memory_space<vmem_shared>>) target(%arg11 : memref<128x128xf32, #tpu.memory_space<vmem>>) target_semaphore(%run_scoped3A : memref<!tpu.dma_semaphore, #tpu.memory_space<semaphore_mem>>)
      %dma_wait3A = arith.constant 0 : i32
      %dma_wait3A_50 = tpu.memref_slice %arg13[%add3A_46, %dma_wait3A] : memref<10240x128xf32, #tpu.memory_space<vmem_shared>> -> memref<128x128xf32, #tpu.memory_space<vmem_shared>>
      %dma_wait3A_51 = arith.constant 0 : i32
      %dma_wait3A_52 = tpu.memref_slice %arg13[%add3A_46, %dma_wait3A_51] : memref<10240x128xf32, #tpu.memory_space<vmem_shared>> -> memref<128x128xf32, #tpu.memory_space<vmem_shared>>
      tpu.wait_dma2 semaphore(%run_scoped3A : memref<!tpu.dma_semaphore, #tpu.memory_space<semaphore_mem>>) src(%dma_wait3A_52 : memref<128x128xf32, #tpu.memory_space<vmem_shared>>) dst(%arg11 : memref<128x128xf32, #tpu.memory_space<vmem>>)
      tpu.yield
    }) : () -> ()
    "tpu.region"() ({
      %run_scoped3A = tpu.sem_alloc : memref<!tpu.dma_semaphore, #tpu.memory_space<semaphore_mem>>
      %dma_start3A = arith.constant 0 : i32
      %dma_start3A_47 = tpu.memref_slice %arg7[%arg0, %add3A_46, %dma_start3A] : memref<2x10240x128xf32, #tpu.memory_space<hbm>> -> memref<1x128x128xf32, #tpu.memory_space<hbm>>
      %dma_start3A_48 = tpu.memref_squeeze %dma_start3A_47 : memref<1x128x128xf32, #tpu.memory_space<hbm>> -> memref<128x128xf32, #tpu.memory_space<hbm>>
      %dma_start3A_49 = arith.constant 0 : i32
      %dma_start3A_50 = tpu.memref_slice %arg7[%arg0, %add3A_46, %dma_start3A_49] : memref<2x10240x128xf32, #tpu.memory_space<hbm>> -> memref<1x128x128xf32, #tpu.memory_space<hbm>>
      %dma_start3A_51 = tpu.memref_squeeze %dma_start3A_50 : memref<1x128x128xf32, #tpu.memory_space<hbm>> -> memref<128x128xf32, #tpu.memory_space<hbm>>
      tpu.enqueue_dma source(%arg11 : memref<128x128xf32, #tpu.memory_space<vmem>>) target(%dma_start3A_51 : memref<128x128xf32, #tpu.memory_space<hbm>>) target_semaphore(%run_scoped3A : memref<!tpu.dma_semaphore, #tpu.memory_space<semaphore_mem>>)
      %dma_wait3A = arith.constant 0 : i32
      %dma_wait3A_52 = tpu.memref_slice %arg7[%arg0, %add3A_46, %dma_wait3A] : memref<2x10240x128xf32, #tpu.memory_space<hbm>> -> memref<1x128x128xf32, #tpu.memory_space<hbm>>
      %dma_wait3A_53 = tpu.memref_squeeze %dma_wait3A_52 : memref<1x128x128xf32, #tpu.memory_space<hbm>> -> memref<128x128xf32, #tpu.memory_space<hbm>>
      %dma_wait3A_54 = arith.constant 0 : i32
      %dma_wait3A_55 = tpu.memref_slice %arg7[%arg0, %add3A_46, %dma_wait3A_54] : memref<2x10240x128xf32, #tpu.memory_space<hbm>> -> memref<1x128x128xf32, #tpu.memory_space<hbm>>
      %dma_wait3A_56 = tpu.memref_squeeze %dma_wait3A_55 : memref<1x128x128xf32, #tpu.memory_space<hbm>> -> memref<128x128xf32, #tpu.memory_space<hbm>>
      tpu.wait_dma2 semaphore(%run_scoped3A : memref<!tpu.dma_semaphore, #tpu.memory_space<semaphore_mem>>) src(%arg11 : memref<128x128xf32, #tpu.memory_space<vmem>>) dst(%dma_wait3A_56 : memref<128x128xf32, #tpu.memory_space<hbm>>)
      tpu.yield
    }) : () -> ()
    "tpu.region"() ({
      %run_scoped3A = tpu.sem_alloc : memref<!tpu.dma_semaphore, #tpu.memory_space<semaphore_mem>>
      %dma_start3A = arith.constant 0 : i32
      %dma_start3A_47 = tpu.memref_slice %arg8[%arg0, %arg1, %dma_start3A] : memref<2x16x10240xi32, #tpu.memory_space<hbm>> -> memref<1x1x10240xi32, #tpu.memory_space<hbm>>
      %dma_start3A_48 = tpu.memref_squeeze %dma_start3A_47 : memref<1x1x10240xi32, #tpu.memory_space<hbm>> -> memref<10240xi32, #tpu.memory_space<hbm>>
      %dma_start3A_49 = arith.constant 0 : i32
      %dma_start3A_50 = tpu.memref_slice %arg8[%arg0, %arg1, %dma_start3A_49] : memref<2x16x10240xi32, #tpu.memory_space<hbm>> -> memref<1x1x10240xi32, #tpu.memory_space<hbm>>
      %dma_start3A_51 = tpu.memref_squeeze %dma_start3A_50 : memref<1x1x10240xi32, #tpu.memory_space<hbm>> -> memref<10240xi32, #tpu.memory_space<hbm>>
      tpu.enqueue_dma source(%arg12 : memref<10240xi32, #tpu.memory_space<vmem>>) target(%dma_start3A_51 : memref<10240xi32, #tpu.memory_space<hbm>>) target_semaphore(%run_scoped3A : memref<!tpu.dma_semaphore, #tpu.memory_space<semaphore_mem>>)
      %dma_wait3A = arith.constant 0 : i32
      %dma_wait3A_52 = tpu.memref_slice %arg8[%arg0, %arg1, %dma_wait3A] : memref<2x16x10240xi32, #tpu.memory_space<hbm>> -> memref<1x1x10240xi32, #tpu.memory_space<hbm>>
      %dma_wait3A_53 = tpu.memref_squeeze %dma_wait3A_52 : memref<1x1x10240xi32, #tpu.memory_space<hbm>> -> memref<10240xi32, #tpu.memory_space<hbm>>
      %dma_wait3A_54 = arith.constant 0 : i32
      %dma_wait3A_55 = tpu.memref_slice %arg8[%arg0, %arg1, %dma_wait3A_54] : memref<2x16x10240xi32, #tpu.memory_space<hbm>> -> memref<1x1x10240xi32, #tpu.memory_space<hbm>>
      %dma_wait3A_56 = tpu.memref_squeeze %dma_wait3A_55 : memref<1x1x10240xi32, #tpu.memory_space<hbm>> -> memref<10240xi32, #tpu.memory_space<hbm>>
      tpu.wait_dma2 semaphore(%run_scoped3A : memref<!tpu.dma_semaphore, #tpu.memory_space<semaphore_mem>>) src(%arg12 : memref<10240xi32, #tpu.memory_space<vmem>>) dst(%dma_wait3A_56 : memref<10240xi32, #tpu.memory_space<hbm>>)
      tpu.yield
    }) : () -> ()
    return
  }
}

#map = affine_map<(d0, d1) -> (0, 0)>
#map1 = affine_map<(d0, d1) -> (0)>
#map2 = affine_map<(d0, d1) -> (0, 0, 0)>
module attributes {stable_mosaic.version = 14 : i64} {
  func.func @_hop_body(%arg0: i32, %arg1: i32, %arg2: memref<10240x128xf32, #tpu.memory_space<hbm>>, %arg3: memref<2560x128xi32, #tpu.memory_space<hbm>>, %arg4: memref<2560x128xi32, #tpu.memory_space<hbm>>, %arg5: memref<128x128xf32, #tpu.memory_space<hbm>>, %arg6: memref<10240xi32, #tpu.memory_space<hbm>>, %arg7: memref<2x10240x128xf32, #tpu.memory_space<hbm>>, %arg8: memref<2x16x8xi32, #tpu.memory_space<hbm>>, %arg9: memref<8x128xi32, #tpu.memory_space<vmem>>, %arg10: memref<8x128xi32, #tpu.memory_space<vmem>>, %arg11: memref<128x128xf32, #tpu.memory_space<vmem>>, %arg12: memref<8xi32, #tpu.memory_space<vmem>>, %arg13: memref<10240x128xf32, #tpu.memory_space<vmem_shared>>, %arg14: memref<!tpu.dma_semaphore, #tpu.memory_space<semaphore_mem>>) attributes {dimension_semantics = [#tpu.dimension_semantics<core_parallel>, #tpu.dimension_semantics<subcore_parallel>], iteration_bounds = array<i64: 2, 16>, scalar_prefetch = 0 : i64, scratch_operands = 6 : i64, tpu.core_type = #tpu.core_type<sc_vector_subcore>, window_params = [{transform_indices = #map}, {transform_indices = #map}, {transform_indices = #map}, {transform_indices = #map}, {transform_indices = #map1}, {transform_indices = #map2}, {transform_indices = #map2}]} {
    %mul3A = arith.constant 16 : i32
    %mul3A_0 = arith.muli %arg0, %mul3A : i32
    %add3A = arith.addi %mul3A_0, %arg1 : i32
    "tpu.region"() ({
      %run_scoped3A = tpu.sem_alloc : memref<!tpu.dma_semaphore, #tpu.memory_space<semaphore_mem>>
      tpu.enqueue_dma source(%arg5 : memref<128x128xf32, #tpu.memory_space<hbm>>) target(%arg11 : memref<128x128xf32, #tpu.memory_space<vmem>>) target_semaphore(%run_scoped3A : memref<!tpu.dma_semaphore, #tpu.memory_space<semaphore_mem>>)
      tpu.wait_dma2 semaphore(%run_scoped3A : memref<!tpu.dma_semaphore, #tpu.memory_space<semaphore_mem>>) src(%arg5 : memref<128x128xf32, #tpu.memory_space<hbm>>) dst(%arg11 : memref<128x128xf32, #tpu.memory_space<vmem>>)
      tpu.yield
    }) : () -> ()
    %mul3A_1 = arith.constant 640 : i32
    %mul3A_2 = arith.muli %arg1, %mul3A_1 : i32
    %add3A_3 = arith.constant 0 : i32
    %add3A_4 = arith.addi %mul3A_2, %add3A_3 : i32
    "tpu.region"() ({
      %run_scoped3A = tpu.sem_alloc : memref<!tpu.dma_semaphore, #tpu.memory_space<semaphore_mem>>
      %dma_start3A = arith.constant 0 : i32
      %dma_start3A_47 = tpu.memref_slice %arg13[%add3A_4, %dma_start3A] : memref<10240x128xf32, #tpu.memory_space<vmem_shared>> -> memref<128x128xf32, #tpu.memory_space<vmem_shared>>
      %dma_start3A_48 = arith.constant 0 : i32
      %dma_start3A_49 = tpu.memref_slice %arg13[%add3A_4, %dma_start3A_48] : memref<10240x128xf32, #tpu.memory_space<vmem_shared>> -> memref<128x128xf32, #tpu.memory_space<vmem_shared>>
      tpu.enqueue_dma source(%arg11 : memref<128x128xf32, #tpu.memory_space<vmem>>) target(%dma_start3A_49 : memref<128x128xf32, #tpu.memory_space<vmem_shared>>) target_semaphore(%run_scoped3A : memref<!tpu.dma_semaphore, #tpu.memory_space<semaphore_mem>>)
      %dma_wait3A = arith.constant 0 : i32
      %dma_wait3A_50 = tpu.memref_slice %arg13[%add3A_4, %dma_wait3A] : memref<10240x128xf32, #tpu.memory_space<vmem_shared>> -> memref<128x128xf32, #tpu.memory_space<vmem_shared>>
      %dma_wait3A_51 = arith.constant 0 : i32
      %dma_wait3A_52 = tpu.memref_slice %arg13[%add3A_4, %dma_wait3A_51] : memref<10240x128xf32, #tpu.memory_space<vmem_shared>> -> memref<128x128xf32, #tpu.memory_space<vmem_shared>>
      tpu.wait_dma2 semaphore(%run_scoped3A : memref<!tpu.dma_semaphore, #tpu.memory_space<semaphore_mem>>) src(%arg11 : memref<128x128xf32, #tpu.memory_space<vmem>>) dst(%dma_wait3A_52 : memref<128x128xf32, #tpu.memory_space<vmem_shared>>)
      tpu.yield
    }) : () -> ()
    %mul3A_5 = arith.constant 640 : i32
    %mul3A_6 = arith.muli %arg1, %mul3A_5 : i32
    %add3A_7 = arith.constant 128 : i32
    %add3A_8 = arith.addi %mul3A_6, %add3A_7 : i32
    "tpu.region"() ({
      %run_scoped3A = tpu.sem_alloc : memref<!tpu.dma_semaphore, #tpu.memory_space<semaphore_mem>>
      %dma_start3A = arith.constant 0 : i32
      %dma_start3A_47 = tpu.memref_slice %arg13[%add3A_8, %dma_start3A] : memref<10240x128xf32, #tpu.memory_space<vmem_shared>> -> memref<128x128xf32, #tpu.memory_space<vmem_shared>>
      %dma_start3A_48 = arith.constant 0 : i32
      %dma_start3A_49 = tpu.memref_slice %arg13[%add3A_8, %dma_start3A_48] : memref<10240x128xf32, #tpu.memory_space<vmem_shared>> -> memref<128x128xf32, #tpu.memory_space<vmem_shared>>
      tpu.enqueue_dma source(%arg11 : memref<128x128xf32, #tpu.memory_space<vmem>>) target(%dma_start3A_49 : memref<128x128xf32, #tpu.memory_space<vmem_shared>>) target_semaphore(%run_scoped3A : memref<!tpu.dma_semaphore, #tpu.memory_space<semaphore_mem>>)
      %dma_wait3A = arith.constant 0 : i32
      %dma_wait3A_50 = tpu.memref_slice %arg13[%add3A_8, %dma_wait3A] : memref<10240x128xf32, #tpu.memory_space<vmem_shared>> -> memref<128x128xf32, #tpu.memory_space<vmem_shared>>
      %dma_wait3A_51 = arith.constant 0 : i32
      %dma_wait3A_52 = tpu.memref_slice %arg13[%add3A_8, %dma_wait3A_51] : memref<10240x128xf32, #tpu.memory_space<vmem_shared>> -> memref<128x128xf32, #tpu.memory_space<vmem_shared>>
      tpu.wait_dma2 semaphore(%run_scoped3A : memref<!tpu.dma_semaphore, #tpu.memory_space<semaphore_mem>>) src(%arg11 : memref<128x128xf32, #tpu.memory_space<vmem>>) dst(%dma_wait3A_52 : memref<128x128xf32, #tpu.memory_space<vmem_shared>>)
      tpu.yield
    }) : () -> ()
    %mul3A_9 = arith.constant 640 : i32
    %mul3A_10 = arith.muli %arg1, %mul3A_9 : i32
    %add3A_11 = arith.constant 256 : i32
    %add3A_12 = arith.addi %mul3A_10, %add3A_11 : i32
    "tpu.region"() ({
      %run_scoped3A = tpu.sem_alloc : memref<!tpu.dma_semaphore, #tpu.memory_space<semaphore_mem>>
      %dma_start3A = arith.constant 0 : i32
      %dma_start3A_47 = tpu.memref_slice %arg13[%add3A_12, %dma_start3A] : memref<10240x128xf32, #tpu.memory_space<vmem_shared>> -> memref<128x128xf32, #tpu.memory_space<vmem_shared>>
      %dma_start3A_48 = arith.constant 0 : i32
      %dma_start3A_49 = tpu.memref_slice %arg13[%add3A_12, %dma_start3A_48] : memref<10240x128xf32, #tpu.memory_space<vmem_shared>> -> memref<128x128xf32, #tpu.memory_space<vmem_shared>>
      tpu.enqueue_dma source(%arg11 : memref<128x128xf32, #tpu.memory_space<vmem>>) target(%dma_start3A_49 : memref<128x128xf32, #tpu.memory_space<vmem_shared>>) target_semaphore(%run_scoped3A : memref<!tpu.dma_semaphore, #tpu.memory_space<semaphore_mem>>)
      %dma_wait3A = arith.constant 0 : i32
      %dma_wait3A_50 = tpu.memref_slice %arg13[%add3A_12, %dma_wait3A] : memref<10240x128xf32, #tpu.memory_space<vmem_shared>> -> memref<128x128xf32, #tpu.memory_space<vmem_shared>>
      %dma_wait3A_51 = arith.constant 0 : i32
      %dma_wait3A_52 = tpu.memref_slice %arg13[%add3A_12, %dma_wait3A_51] : memref<10240x128xf32, #tpu.memory_space<vmem_shared>> -> memref<128x128xf32, #tpu.memory_space<vmem_shared>>
      tpu.wait_dma2 semaphore(%run_scoped3A : memref<!tpu.dma_semaphore, #tpu.memory_space<semaphore_mem>>) src(%arg11 : memref<128x128xf32, #tpu.memory_space<vmem>>) dst(%dma_wait3A_52 : memref<128x128xf32, #tpu.memory_space<vmem_shared>>)
      tpu.yield
    }) : () -> ()
    %mul3A_13 = arith.constant 640 : i32
    %mul3A_14 = arith.muli %arg1, %mul3A_13 : i32
    %add3A_15 = arith.constant 384 : i32
    %add3A_16 = arith.addi %mul3A_14, %add3A_15 : i32
    "tpu.region"() ({
      %run_scoped3A = tpu.sem_alloc : memref<!tpu.dma_semaphore, #tpu.memory_space<semaphore_mem>>
      %dma_start3A = arith.constant 0 : i32
      %dma_start3A_47 = tpu.memref_slice %arg13[%add3A_16, %dma_start3A] : memref<10240x128xf32, #tpu.memory_space<vmem_shared>> -> memref<128x128xf32, #tpu.memory_space<vmem_shared>>
      %dma_start3A_48 = arith.constant 0 : i32
      %dma_start3A_49 = tpu.memref_slice %arg13[%add3A_16, %dma_start3A_48] : memref<10240x128xf32, #tpu.memory_space<vmem_shared>> -> memref<128x128xf32, #tpu.memory_space<vmem_shared>>
      tpu.enqueue_dma source(%arg11 : memref<128x128xf32, #tpu.memory_space<vmem>>) target(%dma_start3A_49 : memref<128x128xf32, #tpu.memory_space<vmem_shared>>) target_semaphore(%run_scoped3A : memref<!tpu.dma_semaphore, #tpu.memory_space<semaphore_mem>>)
      %dma_wait3A = arith.constant 0 : i32
      %dma_wait3A_50 = tpu.memref_slice %arg13[%add3A_16, %dma_wait3A] : memref<10240x128xf32, #tpu.memory_space<vmem_shared>> -> memref<128x128xf32, #tpu.memory_space<vmem_shared>>
      %dma_wait3A_51 = arith.constant 0 : i32
      %dma_wait3A_52 = tpu.memref_slice %arg13[%add3A_16, %dma_wait3A_51] : memref<10240x128xf32, #tpu.memory_space<vmem_shared>> -> memref<128x128xf32, #tpu.memory_space<vmem_shared>>
      tpu.wait_dma2 semaphore(%run_scoped3A : memref<!tpu.dma_semaphore, #tpu.memory_space<semaphore_mem>>) src(%arg11 : memref<128x128xf32, #tpu.memory_space<vmem>>) dst(%dma_wait3A_52 : memref<128x128xf32, #tpu.memory_space<vmem_shared>>)
      tpu.yield
    }) : () -> ()
    %mul3A_17 = arith.constant 640 : i32
    %mul3A_18 = arith.muli %arg1, %mul3A_17 : i32
    %add3A_19 = arith.constant 512 : i32
    %add3A_20 = arith.addi %mul3A_18, %add3A_19 : i32
    "tpu.region"() ({
      %run_scoped3A = tpu.sem_alloc : memref<!tpu.dma_semaphore, #tpu.memory_space<semaphore_mem>>
      %dma_start3A = arith.constant 0 : i32
      %dma_start3A_47 = tpu.memref_slice %arg13[%add3A_20, %dma_start3A] : memref<10240x128xf32, #tpu.memory_space<vmem_shared>> -> memref<128x128xf32, #tpu.memory_space<vmem_shared>>
      %dma_start3A_48 = arith.constant 0 : i32
      %dma_start3A_49 = tpu.memref_slice %arg13[%add3A_20, %dma_start3A_48] : memref<10240x128xf32, #tpu.memory_space<vmem_shared>> -> memref<128x128xf32, #tpu.memory_space<vmem_shared>>
      tpu.enqueue_dma source(%arg11 : memref<128x128xf32, #tpu.memory_space<vmem>>) target(%dma_start3A_49 : memref<128x128xf32, #tpu.memory_space<vmem_shared>>) target_semaphore(%run_scoped3A : memref<!tpu.dma_semaphore, #tpu.memory_space<semaphore_mem>>)
      %dma_wait3A = arith.constant 0 : i32
      %dma_wait3A_50 = tpu.memref_slice %arg13[%add3A_20, %dma_wait3A] : memref<10240x128xf32, #tpu.memory_space<vmem_shared>> -> memref<128x128xf32, #tpu.memory_space<vmem_shared>>
      %dma_wait3A_51 = arith.constant 0 : i32
      %dma_wait3A_52 = tpu.memref_slice %arg13[%add3A_20, %dma_wait3A_51] : memref<10240x128xf32, #tpu.memory_space<vmem_shared>> -> memref<128x128xf32, #tpu.memory_space<vmem_shared>>
      tpu.wait_dma2 semaphore(%run_scoped3A : memref<!tpu.dma_semaphore, #tpu.memory_space<semaphore_mem>>) src(%arg11 : memref<128x128xf32, #tpu.memory_space<vmem>>) dst(%dma_wait3A_52 : memref<128x128xf32, #tpu.memory_space<vmem_shared>>)
      tpu.yield
    }) : () -> ()
    %barrier3A = arith.constant 0 : index
    tpu.barrier barrier_id(%barrier3A)
    %scan3A = arith.constant 0 : i32
    %scan3A_21 = arith.constant 0 : i32
    %scan3A_22 = arith.constant 10 : i32
    %scan3A_23 = arith.addi %scan3A_21, %scan3A_22 : i32
    %scan3A_24 = arith.constant 1 : i32
    scf.for %scan3A_47 = %scan3A_21 to %scan3A_23 step %scan3A_24  : i32 {
      %mul3A_48 = arith.constant 80 : i32
      %mul3A_49 = arith.muli %add3A, %mul3A_48 : i32
      %mul3A_50 = arith.constant 8 : i32
      %mul3A_51 = arith.muli %scan3A_47, %mul3A_50 : i32
      %add3A_52 = arith.addi %mul3A_49, %mul3A_51 : i32
      "tpu.region"() ({
        %run_scoped3A = tpu.sem_alloc : memref<!tpu.dma_semaphore, #tpu.memory_space<semaphore_mem>>
        %dma_start3A = arith.constant 0 : i32
        %dma_start3A_59 = tpu.memref_slice %arg3[%add3A_52, %dma_start3A] : memref<2560x128xi32, #tpu.memory_space<hbm>> -> memref<8x128xi32, #tpu.memory_space<hbm>>
        %dma_start3A_60 = arith.constant 0 : i32
        %dma_start3A_61 = tpu.memref_slice %arg3[%add3A_52, %dma_start3A_60] : memref<2560x128xi32, #tpu.memory_space<hbm>> -> memref<8x128xi32, #tpu.memory_space<hbm>>
        tpu.enqueue_dma source(%dma_start3A_61 : memref<8x128xi32, #tpu.memory_space<hbm>>) target(%arg9 : memref<8x128xi32, #tpu.memory_space<vmem>>) target_semaphore(%run_scoped3A : memref<!tpu.dma_semaphore, #tpu.memory_space<semaphore_mem>>)
        %dma_wait3A = arith.constant 0 : i32
        %dma_wait3A_62 = tpu.memref_slice %arg3[%add3A_52, %dma_wait3A] : memref<2560x128xi32, #tpu.memory_space<hbm>> -> memref<8x128xi32, #tpu.memory_space<hbm>>
        %dma_wait3A_63 = arith.constant 0 : i32
        %dma_wait3A_64 = tpu.memref_slice %arg3[%add3A_52, %dma_wait3A_63] : memref<2560x128xi32, #tpu.memory_space<hbm>> -> memref<8x128xi32, #tpu.memory_space<hbm>>
        tpu.wait_dma2 semaphore(%run_scoped3A : memref<!tpu.dma_semaphore, #tpu.memory_space<semaphore_mem>>) src(%dma_wait3A_64 : memref<8x128xi32, #tpu.memory_space<hbm>>) dst(%arg9 : memref<8x128xi32, #tpu.memory_space<vmem>>)
        tpu.yield
      }) : () -> ()
      "tpu.region"() ({
        %run_scoped3A = tpu.sem_alloc : memref<!tpu.dma_semaphore, #tpu.memory_space<semaphore_mem>>
        %dma_start3A = arith.constant 0 : i32
        %dma_start3A_59 = tpu.memref_slice %arg4[%add3A_52, %dma_start3A] : memref<2560x128xi32, #tpu.memory_space<hbm>> -> memref<8x128xi32, #tpu.memory_space<hbm>>
        %dma_start3A_60 = arith.constant 0 : i32
        %dma_start3A_61 = tpu.memref_slice %arg4[%add3A_52, %dma_start3A_60] : memref<2560x128xi32, #tpu.memory_space<hbm>> -> memref<8x128xi32, #tpu.memory_space<hbm>>
        tpu.enqueue_dma source(%dma_start3A_61 : memref<8x128xi32, #tpu.memory_space<hbm>>) target(%arg10 : memref<8x128xi32, #tpu.memory_space<vmem>>) target_semaphore(%run_scoped3A : memref<!tpu.dma_semaphore, #tpu.memory_space<semaphore_mem>>)
        %dma_wait3A = arith.constant 0 : i32
        %dma_wait3A_62 = tpu.memref_slice %arg4[%add3A_52, %dma_wait3A] : memref<2560x128xi32, #tpu.memory_space<hbm>> -> memref<8x128xi32, #tpu.memory_space<hbm>>
        %dma_wait3A_63 = arith.constant 0 : i32
        %dma_wait3A_64 = tpu.memref_slice %arg4[%add3A_52, %dma_wait3A_63] : memref<2560x128xi32, #tpu.memory_space<hbm>> -> memref<8x128xi32, #tpu.memory_space<hbm>>
        tpu.wait_dma2 semaphore(%run_scoped3A : memref<!tpu.dma_semaphore, #tpu.memory_space<semaphore_mem>>) src(%dma_wait3A_64 : memref<8x128xi32, #tpu.memory_space<hbm>>) dst(%arg10 : memref<8x128xi32, #tpu.memory_space<vmem>>)
        tpu.yield
      }) : () -> ()
      %scan3A_53 = arith.constant 0 : i32
      %scan3A_54 = arith.constant 0 : i32
      %scan3A_55 = arith.constant 8 : i32
      %scan3A_56 = arith.addi %scan3A_54, %scan3A_55 : i32
      %scan3A_57 = arith.constant 1 : i32
      scf.for %scan3A_59 = %scan3A_54 to %scan3A_56 step %scan3A_57  : i32 {
        %dma_start3A = arith.constant 0 : i32
        %dma_start3A_60 = tpu.memref_slice %arg9[%scan3A_59, %dma_start3A] : memref<8x128xi32, #tpu.memory_space<vmem>> -> memref<1x128xi32, #tpu.memory_space<vmem>>
        %dma_start3A_61 = tpu.memref_squeeze %dma_start3A_60 : memref<1x128xi32, #tpu.memory_space<vmem>> -> memref<128xi32, #tpu.memory_space<vmem>>
        %dma_start3A_62 = arith.constant 0 : i32
        %dma_start3A_63 = arith.constant 0 : i32
        %dma_start3A_64 = tpu.memref_slice %arg2[%dma_start3A_62, %dma_start3A_63] : memref<10240x128xf32, #tpu.memory_space<hbm>> -> memref<10240x128xf32, #tpu.memory_space<hbm>>
        tpu.enqueue_indirect_dma source(%dma_start3A_64 : memref<10240x128xf32, #tpu.memory_space<hbm>>) target(%arg11 : memref<128x128xf32, #tpu.memory_space<vmem>>) offsets(%dma_start3A_61 : memref<128xi32, #tpu.memory_space<vmem>>) semaphore(%arg14 : memref<!tpu.dma_semaphore, #tpu.memory_space<semaphore_mem>>)
        %dma_wait3A = arith.constant 0 : i32
        %dma_wait3A_65 = tpu.memref_slice %arg9[%scan3A_59, %dma_wait3A] : memref<8x128xi32, #tpu.memory_space<vmem>> -> memref<1x128xi32, #tpu.memory_space<vmem>>
        %dma_wait3A_66 = tpu.memref_squeeze %dma_wait3A_65 : memref<1x128xi32, #tpu.memory_space<vmem>> -> memref<128xi32, #tpu.memory_space<vmem>>
        %dma_wait3A_67 = arith.constant 0 : i32
        %dma_wait3A_68 = arith.constant 0 : i32
        %dma_wait3A_69 = tpu.memref_slice %arg2[%dma_wait3A_67, %dma_wait3A_68] : memref<10240x128xf32, #tpu.memory_space<hbm>> -> memref<10240x128xf32, #tpu.memory_space<hbm>>
        tpu.wait_indirect_dma semaphore(%arg14 : memref<!tpu.dma_semaphore, #tpu.memory_space<semaphore_mem>>) src(%dma_wait3A_69 : memref<10240x128xf32, #tpu.memory_space<hbm>>) dst(%arg11 : memref<128x128xf32, #tpu.memory_space<vmem>>)
        "tpu.region"() ({
          %run_scoped3A = tpu.sem_alloc : memref<!tpu.dma_semaphore, #tpu.memory_space<semaphore_mem>>
          %dma_start3A_70 = arith.constant 0 : i32
          %dma_start3A_71 = tpu.memref_slice %arg10[%scan3A_59, %dma_start3A_70] : memref<8x128xi32, #tpu.memory_space<vmem>> -> memref<1x128xi32, #tpu.memory_space<vmem>>
          %dma_start3A_72 = tpu.memref_squeeze %dma_start3A_71 : memref<1x128xi32, #tpu.memory_space<vmem>> -> memref<128xi32, #tpu.memory_space<vmem>>
          %dma_start3A_73 = arith.constant 0 : i32
          %dma_start3A_74 = arith.constant 0 : i32
          %dma_start3A_75 = tpu.memref_slice %arg13[%dma_start3A_73, %dma_start3A_74] : memref<10240x128xf32, #tpu.memory_space<vmem_shared>> -> memref<10240x128xf32, #tpu.memory_space<vmem_shared>>
          tpu.enqueue_indirect_dma source(%arg11 : memref<128x128xf32, #tpu.memory_space<vmem>>) target(%dma_start3A_75 : memref<10240x128xf32, #tpu.memory_space<vmem_shared>>) offsets(%dma_start3A_72 : memref<128xi32, #tpu.memory_space<vmem>>) semaphore(%run_scoped3A : memref<!tpu.dma_semaphore, #tpu.memory_space<semaphore_mem>>) {add = true}
          %dma_wait3A_76 = arith.constant 0 : i32
          %dma_wait3A_77 = tpu.memref_slice %arg10[%scan3A_59, %dma_wait3A_76] : memref<8x128xi32, #tpu.memory_space<vmem>> -> memref<1x128xi32, #tpu.memory_space<vmem>>
          %dma_wait3A_78 = tpu.memref_squeeze %dma_wait3A_77 : memref<1x128xi32, #tpu.memory_space<vmem>> -> memref<128xi32, #tpu.memory_space<vmem>>
          %dma_wait3A_79 = arith.constant 0 : i32
          %dma_wait3A_80 = arith.constant 0 : i32
          %dma_wait3A_81 = tpu.memref_slice %arg13[%dma_wait3A_79, %dma_wait3A_80] : memref<10240x128xf32, #tpu.memory_space<vmem_shared>> -> memref<10240x128xf32, #tpu.memory_space<vmem_shared>>
          tpu.wait_indirect_dma semaphore(%run_scoped3A : memref<!tpu.dma_semaphore, #tpu.memory_space<semaphore_mem>>) src(%arg11 : memref<128x128xf32, #tpu.memory_space<vmem>>) dst(%dma_wait3A_81 : memref<10240x128xf32, #tpu.memory_space<vmem_shared>>)
          tpu.yield
        }) : () -> ()
      }
      %scan3A_58 = arith.constant 8 : i32
    }
    %scan3A_25 = arith.constant 10 : i32
    %barrier3A_26 = arith.constant 0 : index
    tpu.barrier barrier_id(%barrier3A_26)
    %mul3A_27 = arith.constant 640 : i32
    %mul3A_28 = arith.muli %arg1, %mul3A_27 : i32
    %add3A_29 = arith.constant 0 : i32
    %add3A_30 = arith.addi %mul3A_28, %add3A_29 : i32
    "tpu.region"() ({
      %run_scoped3A = tpu.sem_alloc : memref<!tpu.dma_semaphore, #tpu.memory_space<semaphore_mem>>
      %dma_start3A = arith.constant 0 : i32
      %dma_start3A_47 = tpu.memref_slice %arg13[%add3A_30, %dma_start3A] : memref<10240x128xf32, #tpu.memory_space<vmem_shared>> -> memref<128x128xf32, #tpu.memory_space<vmem_shared>>
      %dma_start3A_48 = arith.constant 0 : i32
      %dma_start3A_49 = tpu.memref_slice %arg13[%add3A_30, %dma_start3A_48] : memref<10240x128xf32, #tpu.memory_space<vmem_shared>> -> memref<128x128xf32, #tpu.memory_space<vmem_shared>>
      tpu.enqueue_dma source(%dma_start3A_49 : memref<128x128xf32, #tpu.memory_space<vmem_shared>>) target(%arg11 : memref<128x128xf32, #tpu.memory_space<vmem>>) target_semaphore(%run_scoped3A : memref<!tpu.dma_semaphore, #tpu.memory_space<semaphore_mem>>)
      %dma_wait3A = arith.constant 0 : i32
      %dma_wait3A_50 = tpu.memref_slice %arg13[%add3A_30, %dma_wait3A] : memref<10240x128xf32, #tpu.memory_space<vmem_shared>> -> memref<128x128xf32, #tpu.memory_space<vmem_shared>>
      %dma_wait3A_51 = arith.constant 0 : i32
      %dma_wait3A_52 = tpu.memref_slice %arg13[%add3A_30, %dma_wait3A_51] : memref<10240x128xf32, #tpu.memory_space<vmem_shared>> -> memref<128x128xf32, #tpu.memory_space<vmem_shared>>
      tpu.wait_dma2 semaphore(%run_scoped3A : memref<!tpu.dma_semaphore, #tpu.memory_space<semaphore_mem>>) src(%dma_wait3A_52 : memref<128x128xf32, #tpu.memory_space<vmem_shared>>) dst(%arg11 : memref<128x128xf32, #tpu.memory_space<vmem>>)
      tpu.yield
    }) : () -> ()
    "tpu.region"() ({
      %run_scoped3A = tpu.sem_alloc : memref<!tpu.dma_semaphore, #tpu.memory_space<semaphore_mem>>
      %dma_start3A = arith.constant 0 : i32
      %dma_start3A_47 = tpu.memref_slice %arg7[%arg0, %add3A_30, %dma_start3A] : memref<2x10240x128xf32, #tpu.memory_space<hbm>> -> memref<1x128x128xf32, #tpu.memory_space<hbm>>
      %dma_start3A_48 = tpu.memref_squeeze %dma_start3A_47 : memref<1x128x128xf32, #tpu.memory_space<hbm>> -> memref<128x128xf32, #tpu.memory_space<hbm>>
      %dma_start3A_49 = arith.constant 0 : i32
      %dma_start3A_50 = tpu.memref_slice %arg7[%arg0, %add3A_30, %dma_start3A_49] : memref<2x10240x128xf32, #tpu.memory_space<hbm>> -> memref<1x128x128xf32, #tpu.memory_space<hbm>>
      %dma_start3A_51 = tpu.memref_squeeze %dma_start3A_50 : memref<1x128x128xf32, #tpu.memory_space<hbm>> -> memref<128x128xf32, #tpu.memory_space<hbm>>
      tpu.enqueue_dma source(%arg11 : memref<128x128xf32, #tpu.memory_space<vmem>>) target(%dma_start3A_51 : memref<128x128xf32, #tpu.memory_space<hbm>>) target_semaphore(%run_scoped3A : memref<!tpu.dma_semaphore, #tpu.memory_space<semaphore_mem>>)
      %dma_wait3A = arith.constant 0 : i32
      %dma_wait3A_52 = tpu.memref_slice %arg7[%arg0, %add3A_30, %dma_wait3A] : memref<2x10240x128xf32, #tpu.memory_space<hbm>> -> memref<1x128x128xf32, #tpu.memory_space<hbm>>
      %dma_wait3A_53 = tpu.memref_squeeze %dma_wait3A_52 : memref<1x128x128xf32, #tpu.memory_space<hbm>> -> memref<128x128xf32, #tpu.memory_space<hbm>>
      %dma_wait3A_54 = arith.constant 0 : i32
      %dma_wait3A_55 = tpu.memref_slice %arg7[%arg0, %add3A_30, %dma_wait3A_54] : memref<2x10240x128xf32, #tpu.memory_space<hbm>> -> memref<1x128x128xf32, #tpu.memory_space<hbm>>
      %dma_wait3A_56 = tpu.memref_squeeze %dma_wait3A_55 : memref<1x128x128xf32, #tpu.memory_space<hbm>> -> memref<128x128xf32, #tpu.memory_space<hbm>>
      tpu.wait_dma2 semaphore(%run_scoped3A : memref<!tpu.dma_semaphore, #tpu.memory_space<semaphore_mem>>) src(%arg11 : memref<128x128xf32, #tpu.memory_space<vmem>>) dst(%dma_wait3A_56 : memref<128x128xf32, #tpu.memory_space<hbm>>)
      tpu.yield
    }) : () -> ()
    %mul3A_31 = arith.constant 640 : i32
    %mul3A_32 = arith.muli %arg1, %mul3A_31 : i32
    %add3A_33 = arith.constant 128 : i32
    %add3A_34 = arith.addi %mul3A_32, %add3A_33 : i32
    "tpu.region"() ({
      %run_scoped3A = tpu.sem_alloc : memref<!tpu.dma_semaphore, #tpu.memory_space<semaphore_mem>>
      %dma_start3A = arith.constant 0 : i32
      %dma_start3A_47 = tpu.memref_slice %arg13[%add3A_34, %dma_start3A] : memref<10240x128xf32, #tpu.memory_space<vmem_shared>> -> memref<128x128xf32, #tpu.memory_space<vmem_shared>>
      %dma_start3A_48 = arith.constant 0 : i32
      %dma_start3A_49 = tpu.memref_slice %arg13[%add3A_34, %dma_start3A_48] : memref<10240x128xf32, #tpu.memory_space<vmem_shared>> -> memref<128x128xf32, #tpu.memory_space<vmem_shared>>
      tpu.enqueue_dma source(%dma_start3A_49 : memref<128x128xf32, #tpu.memory_space<vmem_shared>>) target(%arg11 : memref<128x128xf32, #tpu.memory_space<vmem>>) target_semaphore(%run_scoped3A : memref<!tpu.dma_semaphore, #tpu.memory_space<semaphore_mem>>)
      %dma_wait3A = arith.constant 0 : i32
      %dma_wait3A_50 = tpu.memref_slice %arg13[%add3A_34, %dma_wait3A] : memref<10240x128xf32, #tpu.memory_space<vmem_shared>> -> memref<128x128xf32, #tpu.memory_space<vmem_shared>>
      %dma_wait3A_51 = arith.constant 0 : i32
      %dma_wait3A_52 = tpu.memref_slice %arg13[%add3A_34, %dma_wait3A_51] : memref<10240x128xf32, #tpu.memory_space<vmem_shared>> -> memref<128x128xf32, #tpu.memory_space<vmem_shared>>
      tpu.wait_dma2 semaphore(%run_scoped3A : memref<!tpu.dma_semaphore, #tpu.memory_space<semaphore_mem>>) src(%dma_wait3A_52 : memref<128x128xf32, #tpu.memory_space<vmem_shared>>) dst(%arg11 : memref<128x128xf32, #tpu.memory_space<vmem>>)
      tpu.yield
    }) : () -> ()
    "tpu.region"() ({
      %run_scoped3A = tpu.sem_alloc : memref<!tpu.dma_semaphore, #tpu.memory_space<semaphore_mem>>
      %dma_start3A = arith.constant 0 : i32
      %dma_start3A_47 = tpu.memref_slice %arg7[%arg0, %add3A_34, %dma_start3A] : memref<2x10240x128xf32, #tpu.memory_space<hbm>> -> memref<1x128x128xf32, #tpu.memory_space<hbm>>
      %dma_start3A_48 = tpu.memref_squeeze %dma_start3A_47 : memref<1x128x128xf32, #tpu.memory_space<hbm>> -> memref<128x128xf32, #tpu.memory_space<hbm>>
      %dma_start3A_49 = arith.constant 0 : i32
      %dma_start3A_50 = tpu.memref_slice %arg7[%arg0, %add3A_34, %dma_start3A_49] : memref<2x10240x128xf32, #tpu.memory_space<hbm>> -> memref<1x128x128xf32, #tpu.memory_space<hbm>>
      %dma_start3A_51 = tpu.memref_squeeze %dma_start3A_50 : memref<1x128x128xf32, #tpu.memory_space<hbm>> -> memref<128x128xf32, #tpu.memory_space<hbm>>
      tpu.enqueue_dma source(%arg11 : memref<128x128xf32, #tpu.memory_space<vmem>>) target(%dma_start3A_51 : memref<128x128xf32, #tpu.memory_space<hbm>>) target_semaphore(%run_scoped3A : memref<!tpu.dma_semaphore, #tpu.memory_space<semaphore_mem>>)
      %dma_wait3A = arith.constant 0 : i32
      %dma_wait3A_52 = tpu.memref_slice %arg7[%arg0, %add3A_34, %dma_wait3A] : memref<2x10240x128xf32, #tpu.memory_space<hbm>> -> memref<1x128x128xf32, #tpu.memory_space<hbm>>
      %dma_wait3A_53 = tpu.memref_squeeze %dma_wait3A_52 : memref<1x128x128xf32, #tpu.memory_space<hbm>> -> memref<128x128xf32, #tpu.memory_space<hbm>>
      %dma_wait3A_54 = arith.constant 0 : i32
      %dma_wait3A_55 = tpu.memref_slice %arg7[%arg0, %add3A_34, %dma_wait3A_54] : memref<2x10240x128xf32, #tpu.memory_space<hbm>> -> memref<1x128x128xf32, #tpu.memory_space<hbm>>
      %dma_wait3A_56 = tpu.memref_squeeze %dma_wait3A_55 : memref<1x128x128xf32, #tpu.memory_space<hbm>> -> memref<128x128xf32, #tpu.memory_space<hbm>>
      tpu.wait_dma2 semaphore(%run_scoped3A : memref<!tpu.dma_semaphore, #tpu.memory_space<semaphore_mem>>) src(%arg11 : memref<128x128xf32, #tpu.memory_space<vmem>>) dst(%dma_wait3A_56 : memref<128x128xf32, #tpu.memory_space<hbm>>)
      tpu.yield
    }) : () -> ()
    %mul3A_35 = arith.constant 640 : i32
    %mul3A_36 = arith.muli %arg1, %mul3A_35 : i32
    %add3A_37 = arith.constant 256 : i32
    %add3A_38 = arith.addi %mul3A_36, %add3A_37 : i32
    "tpu.region"() ({
      %run_scoped3A = tpu.sem_alloc : memref<!tpu.dma_semaphore, #tpu.memory_space<semaphore_mem>>
      %dma_start3A = arith.constant 0 : i32
      %dma_start3A_47 = tpu.memref_slice %arg13[%add3A_38, %dma_start3A] : memref<10240x128xf32, #tpu.memory_space<vmem_shared>> -> memref<128x128xf32, #tpu.memory_space<vmem_shared>>
      %dma_start3A_48 = arith.constant 0 : i32
      %dma_start3A_49 = tpu.memref_slice %arg13[%add3A_38, %dma_start3A_48] : memref<10240x128xf32, #tpu.memory_space<vmem_shared>> -> memref<128x128xf32, #tpu.memory_space<vmem_shared>>
      tpu.enqueue_dma source(%dma_start3A_49 : memref<128x128xf32, #tpu.memory_space<vmem_shared>>) target(%arg11 : memref<128x128xf32, #tpu.memory_space<vmem>>) target_semaphore(%run_scoped3A : memref<!tpu.dma_semaphore, #tpu.memory_space<semaphore_mem>>)
      %dma_wait3A = arith.constant 0 : i32
      %dma_wait3A_50 = tpu.memref_slice %arg13[%add3A_38, %dma_wait3A] : memref<10240x128xf32, #tpu.memory_space<vmem_shared>> -> memref<128x128xf32, #tpu.memory_space<vmem_shared>>
      %dma_wait3A_51 = arith.constant 0 : i32
      %dma_wait3A_52 = tpu.memref_slice %arg13[%add3A_38, %dma_wait3A_51] : memref<10240x128xf32, #tpu.memory_space<vmem_shared>> -> memref<128x128xf32, #tpu.memory_space<vmem_shared>>
      tpu.wait_dma2 semaphore(%run_scoped3A : memref<!tpu.dma_semaphore, #tpu.memory_space<semaphore_mem>>) src(%dma_wait3A_52 : memref<128x128xf32, #tpu.memory_space<vmem_shared>>) dst(%arg11 : memref<128x128xf32, #tpu.memory_space<vmem>>)
      tpu.yield
    }) : () -> ()
    "tpu.region"() ({
      %run_scoped3A = tpu.sem_alloc : memref<!tpu.dma_semaphore, #tpu.memory_space<semaphore_mem>>
      %dma_start3A = arith.constant 0 : i32
      %dma_start3A_47 = tpu.memref_slice %arg7[%arg0, %add3A_38, %dma_start3A] : memref<2x10240x128xf32, #tpu.memory_space<hbm>> -> memref<1x128x128xf32, #tpu.memory_space<hbm>>
      %dma_start3A_48 = tpu.memref_squeeze %dma_start3A_47 : memref<1x128x128xf32, #tpu.memory_space<hbm>> -> memref<128x128xf32, #tpu.memory_space<hbm>>
      %dma_start3A_49 = arith.constant 0 : i32
      %dma_start3A_50 = tpu.memref_slice %arg7[%arg0, %add3A_38, %dma_start3A_49] : memref<2x10240x128xf32, #tpu.memory_space<hbm>> -> memref<1x128x128xf32, #tpu.memory_space<hbm>>
      %dma_start3A_51 = tpu.memref_squeeze %dma_start3A_50 : memref<1x128x128xf32, #tpu.memory_space<hbm>> -> memref<128x128xf32, #tpu.memory_space<hbm>>
      tpu.enqueue_dma source(%arg11 : memref<128x128xf32, #tpu.memory_space<vmem>>) target(%dma_start3A_51 : memref<128x128xf32, #tpu.memory_space<hbm>>) target_semaphore(%run_scoped3A : memref<!tpu.dma_semaphore, #tpu.memory_space<semaphore_mem>>)
      %dma_wait3A = arith.constant 0 : i32
      %dma_wait3A_52 = tpu.memref_slice %arg7[%arg0, %add3A_38, %dma_wait3A] : memref<2x10240x128xf32, #tpu.memory_space<hbm>> -> memref<1x128x128xf32, #tpu.memory_space<hbm>>
      %dma_wait3A_53 = tpu.memref_squeeze %dma_wait3A_52 : memref<1x128x128xf32, #tpu.memory_space<hbm>> -> memref<128x128xf32, #tpu.memory_space<hbm>>
      %dma_wait3A_54 = arith.constant 0 : i32
      %dma_wait3A_55 = tpu.memref_slice %arg7[%arg0, %add3A_38, %dma_wait3A_54] : memref<2x10240x128xf32, #tpu.memory_space<hbm>> -> memref<1x128x128xf32, #tpu.memory_space<hbm>>
      %dma_wait3A_56 = tpu.memref_squeeze %dma_wait3A_55 : memref<1x128x128xf32, #tpu.memory_space<hbm>> -> memref<128x128xf32, #tpu.memory_space<hbm>>
      tpu.wait_dma2 semaphore(%run_scoped3A : memref<!tpu.dma_semaphore, #tpu.memory_space<semaphore_mem>>) src(%arg11 : memref<128x128xf32, #tpu.memory_space<vmem>>) dst(%dma_wait3A_56 : memref<128x128xf32, #tpu.memory_space<hbm>>)
      tpu.yield
    }) : () -> ()
    %mul3A_39 = arith.constant 640 : i32
    %mul3A_40 = arith.muli %arg1, %mul3A_39 : i32
    %add3A_41 = arith.constant 384 : i32
    %add3A_42 = arith.addi %mul3A_40, %add3A_41 : i32
    "tpu.region"() ({
      %run_scoped3A = tpu.sem_alloc : memref<!tpu.dma_semaphore, #tpu.memory_space<semaphore_mem>>
      %dma_start3A = arith.constant 0 : i32
      %dma_start3A_47 = tpu.memref_slice %arg13[%add3A_42, %dma_start3A] : memref<10240x128xf32, #tpu.memory_space<vmem_shared>> -> memref<128x128xf32, #tpu.memory_space<vmem_shared>>
      %dma_start3A_48 = arith.constant 0 : i32
      %dma_start3A_49 = tpu.memref_slice %arg13[%add3A_42, %dma_start3A_48] : memref<10240x128xf32, #tpu.memory_space<vmem_shared>> -> memref<128x128xf32, #tpu.memory_space<vmem_shared>>
      tpu.enqueue_dma source(%dma_start3A_49 : memref<128x128xf32, #tpu.memory_space<vmem_shared>>) target(%arg11 : memref<128x128xf32, #tpu.memory_space<vmem>>) target_semaphore(%run_scoped3A : memref<!tpu.dma_semaphore, #tpu.memory_space<semaphore_mem>>)
      %dma_wait3A = arith.constant 0 : i32
      %dma_wait3A_50 = tpu.memref_slice %arg13[%add3A_42, %dma_wait3A] : memref<10240x128xf32, #tpu.memory_space<vmem_shared>> -> memref<128x128xf32, #tpu.memory_space<vmem_shared>>
      %dma_wait3A_51 = arith.constant 0 : i32
      %dma_wait3A_52 = tpu.memref_slice %arg13[%add3A_42, %dma_wait3A_51] : memref<10240x128xf32, #tpu.memory_space<vmem_shared>> -> memref<128x128xf32, #tpu.memory_space<vmem_shared>>
      tpu.wait_dma2 semaphore(%run_scoped3A : memref<!tpu.dma_semaphore, #tpu.memory_space<semaphore_mem>>) src(%dma_wait3A_52 : memref<128x128xf32, #tpu.memory_space<vmem_shared>>) dst(%arg11 : memref<128x128xf32, #tpu.memory_space<vmem>>)
      tpu.yield
    }) : () -> ()
    "tpu.region"() ({
      %run_scoped3A = tpu.sem_alloc : memref<!tpu.dma_semaphore, #tpu.memory_space<semaphore_mem>>
      %dma_start3A = arith.constant 0 : i32
      %dma_start3A_47 = tpu.memref_slice %arg7[%arg0, %add3A_42, %dma_start3A] : memref<2x10240x128xf32, #tpu.memory_space<hbm>> -> memref<1x128x128xf32, #tpu.memory_space<hbm>>
      %dma_start3A_48 = tpu.memref_squeeze %dma_start3A_47 : memref<1x128x128xf32, #tpu.memory_space<hbm>> -> memref<128x128xf32, #tpu.memory_space<hbm>>
      %dma_start3A_49 = arith.constant 0 : i32
      %dma_start3A_50 = tpu.memref_slice %arg7[%arg0, %add3A_42, %dma_start3A_49] : memref<2x10240x128xf32, #tpu.memory_space<hbm>> -> memref<1x128x128xf32, #tpu.memory_space<hbm>>
      %dma_start3A_51 = tpu.memref_squeeze %dma_start3A_50 : memref<1x128x128xf32, #tpu.memory_space<hbm>> -> memref<128x128xf32, #tpu.memory_space<hbm>>
      tpu.enqueue_dma source(%arg11 : memref<128x128xf32, #tpu.memory_space<vmem>>) target(%dma_start3A_51 : memref<128x128xf32, #tpu.memory_space<hbm>>) target_semaphore(%run_scoped3A : memref<!tpu.dma_semaphore, #tpu.memory_space<semaphore_mem>>)
      %dma_wait3A = arith.constant 0 : i32
      %dma_wait3A_52 = tpu.memref_slice %arg7[%arg0, %add3A_42, %dma_wait3A] : memref<2x10240x128xf32, #tpu.memory_space<hbm>> -> memref<1x128x128xf32, #tpu.memory_space<hbm>>
      %dma_wait3A_53 = tpu.memref_squeeze %dma_wait3A_52 : memref<1x128x128xf32, #tpu.memory_space<hbm>> -> memref<128x128xf32, #tpu.memory_space<hbm>>
      %dma_wait3A_54 = arith.constant 0 : i32
      %dma_wait3A_55 = tpu.memref_slice %arg7[%arg0, %add3A_42, %dma_wait3A_54] : memref<2x10240x128xf32, #tpu.memory_space<hbm>> -> memref<1x128x128xf32, #tpu.memory_space<hbm>>
      %dma_wait3A_56 = tpu.memref_squeeze %dma_wait3A_55 : memref<1x128x128xf32, #tpu.memory_space<hbm>> -> memref<128x128xf32, #tpu.memory_space<hbm>>
      tpu.wait_dma2 semaphore(%run_scoped3A : memref<!tpu.dma_semaphore, #tpu.memory_space<semaphore_mem>>) src(%arg11 : memref<128x128xf32, #tpu.memory_space<vmem>>) dst(%dma_wait3A_56 : memref<128x128xf32, #tpu.memory_space<hbm>>)
      tpu.yield
    }) : () -> ()
    %mul3A_43 = arith.constant 640 : i32
    %mul3A_44 = arith.muli %arg1, %mul3A_43 : i32
    %add3A_45 = arith.constant 512 : i32
    %add3A_46 = arith.addi %mul3A_44, %add3A_45 : i32
    "tpu.region"() ({
      %run_scoped3A = tpu.sem_alloc : memref<!tpu.dma_semaphore, #tpu.memory_space<semaphore_mem>>
      %dma_start3A = arith.constant 0 : i32
      %dma_start3A_47 = tpu.memref_slice %arg13[%add3A_46, %dma_start3A] : memref<10240x128xf32, #tpu.memory_space<vmem_shared>> -> memref<128x128xf32, #tpu.memory_space<vmem_shared>>
      %dma_start3A_48 = arith.constant 0 : i32
      %dma_start3A_49 = tpu.memref_slice %arg13[%add3A_46, %dma_start3A_48] : memref<10240x128xf32, #tpu.memory_space<vmem_shared>> -> memref<128x128xf32, #tpu.memory_space<vmem_shared>>
      tpu.enqueue_dma source(%dma_start3A_49 : memref<128x128xf32, #tpu.memory_space<vmem_shared>>) target(%arg11 : memref<128x128xf32, #tpu.memory_space<vmem>>) target_semaphore(%run_scoped3A : memref<!tpu.dma_semaphore, #tpu.memory_space<semaphore_mem>>)
      %dma_wait3A = arith.constant 0 : i32
      %dma_wait3A_50 = tpu.memref_slice %arg13[%add3A_46, %dma_wait3A] : memref<10240x128xf32, #tpu.memory_space<vmem_shared>> -> memref<128x128xf32, #tpu.memory_space<vmem_shared>>
      %dma_wait3A_51 = arith.constant 0 : i32
      %dma_wait3A_52 = tpu.memref_slice %arg13[%add3A_46, %dma_wait3A_51] : memref<10240x128xf32, #tpu.memory_space<vmem_shared>> -> memref<128x128xf32, #tpu.memory_space<vmem_shared>>
      tpu.wait_dma2 semaphore(%run_scoped3A : memref<!tpu.dma_semaphore, #tpu.memory_space<semaphore_mem>>) src(%dma_wait3A_52 : memref<128x128xf32, #tpu.memory_space<vmem_shared>>) dst(%arg11 : memref<128x128xf32, #tpu.memory_space<vmem>>)
      tpu.yield
    }) : () -> ()
    "tpu.region"() ({
      %run_scoped3A = tpu.sem_alloc : memref<!tpu.dma_semaphore, #tpu.memory_space<semaphore_mem>>
      %dma_start3A = arith.constant 0 : i32
      %dma_start3A_47 = tpu.memref_slice %arg7[%arg0, %add3A_46, %dma_start3A] : memref<2x10240x128xf32, #tpu.memory_space<hbm>> -> memref<1x128x128xf32, #tpu.memory_space<hbm>>
      %dma_start3A_48 = tpu.memref_squeeze %dma_start3A_47 : memref<1x128x128xf32, #tpu.memory_space<hbm>> -> memref<128x128xf32, #tpu.memory_space<hbm>>
      %dma_start3A_49 = arith.constant 0 : i32
      %dma_start3A_50 = tpu.memref_slice %arg7[%arg0, %add3A_46, %dma_start3A_49] : memref<2x10240x128xf32, #tpu.memory_space<hbm>> -> memref<1x128x128xf32, #tpu.memory_space<hbm>>
      %dma_start3A_51 = tpu.memref_squeeze %dma_start3A_50 : memref<1x128x128xf32, #tpu.memory_space<hbm>> -> memref<128x128xf32, #tpu.memory_space<hbm>>
      tpu.enqueue_dma source(%arg11 : memref<128x128xf32, #tpu.memory_space<vmem>>) target(%dma_start3A_51 : memref<128x128xf32, #tpu.memory_space<hbm>>) target_semaphore(%run_scoped3A : memref<!tpu.dma_semaphore, #tpu.memory_space<semaphore_mem>>)
      %dma_wait3A = arith.constant 0 : i32
      %dma_wait3A_52 = tpu.memref_slice %arg7[%arg0, %add3A_46, %dma_wait3A] : memref<2x10240x128xf32, #tpu.memory_space<hbm>> -> memref<1x128x128xf32, #tpu.memory_space<hbm>>
      %dma_wait3A_53 = tpu.memref_squeeze %dma_wait3A_52 : memref<1x128x128xf32, #tpu.memory_space<hbm>> -> memref<128x128xf32, #tpu.memory_space<hbm>>
      %dma_wait3A_54 = arith.constant 0 : i32
      %dma_wait3A_55 = tpu.memref_slice %arg7[%arg0, %add3A_46, %dma_wait3A_54] : memref<2x10240x128xf32, #tpu.memory_space<hbm>> -> memref<1x128x128xf32, #tpu.memory_space<hbm>>
      %dma_wait3A_56 = tpu.memref_squeeze %dma_wait3A_55 : memref<1x128x128xf32, #tpu.memory_space<hbm>> -> memref<128x128xf32, #tpu.memory_space<hbm>>
      tpu.wait_dma2 semaphore(%run_scoped3A : memref<!tpu.dma_semaphore, #tpu.memory_space<semaphore_mem>>) src(%arg11 : memref<128x128xf32, #tpu.memory_space<vmem>>) dst(%dma_wait3A_56 : memref<128x128xf32, #tpu.memory_space<hbm>>)
      tpu.yield
    }) : () -> ()
    return
  }
}

module attributes {stable_mosaic.version = 14 : i64} {
  func.func @_mid_body(%arg0: i32, %arg1: memref<2x1024x128xf32, #tpu.memory_space<vmem>>, %arg2: memref<2x16x1024xi32, #tpu.memory_space<vmem>>, %arg3: memref<1024x1xf32, #tpu.memory_space<vmem>>, %arg4: memref<1024x128xf32, #tpu.memory_space<vmem>>) attributes {dimension_semantics = [#tpu.dimension_semantics<arbitrary>], iteration_bounds = array<i64: 10>, scalar_prefetch = 0 : i64, scratch_operands = 0 : i64, tpu.core_type = #tpu.core_type<tc>, window_params = [{transform_indices = @transform_0, window_bounds = array<i64: 2, 1024, 128>}, {transform_indices = @transform_1, window_bounds = array<i64: 2, 16, 1024>}, {transform_indices = @transform_2, window_bounds = array<i64: 1024, 1>}, {transform_indices = @transform_3, window_bounds = array<i64: 1024, 128>}]} {
    %get3A = arith.constant 0 : index
    %get3A_0 = arith.constant 0 : index
    %get3A_1 = arith.constant 0 : index
    %get3A_2 = vector.load %arg1[%get3A, %get3A_0, %get3A_1] : memref<2x1024x128xf32, #tpu.memory_space<vmem>>, vector<1x1024x128xf32>
    %get3A_3 = vector.shape_cast %get3A_2 : vector<1x1024x128xf32> to vector<1024x128xf32>
    %get3A_4 = arith.constant 1 : index
    %get3A_5 = arith.constant 0 : index
    %get3A_6 = arith.constant 0 : index
    %get3A_7 = vector.load %arg1[%get3A_4, %get3A_5, %get3A_6] : memref<2x1024x128xf32, #tpu.memory_space<vmem>>, vector<1x1024x128xf32>
    %get3A_8 = vector.shape_cast %get3A_7 : vector<1x1024x128xf32> to vector<1024x128xf32>
    %add3A = arith.addf %get3A_3, %get3A_8 : vector<1024x128xf32>
    %get3A_9 = arith.constant 0 : index
    %get3A_10 = arith.constant 0 : index
    %get3A_11 = arith.constant 0 : index
    %get3A_12 = vector.load %arg2[%get3A_9, %get3A_10, %get3A_11] : memref<2x16x1024xi32, #tpu.memory_space<vmem>>, vector<2x16x1024xi32>
    %reduce_sum3A = arith.constant dense<0> : vector<1024xi32>
    %reduce_sum3A_13 = vector.multi_reduction <add>, %get3A_12, %reduce_sum3A [0, 1] : vector<2x16x1024xi32> to vector<1024xi32>
    %convert_element_type3A = arith.sitofp %reduce_sum3A_13 : vector<1024xi32> to vector<1024xf32>
    %max3A = arith.constant 1.000000e+00 : f32
    %max3A_14 = vector.broadcast %max3A : f32 to vector<1024xf32>
    %max3A_15 = arith.maximumf %convert_element_type3A, %max3A_14 : vector<1024xf32>
    %broadcast_in_dim3A = vector.shape_cast %max3A_15 : vector<1024xf32> to vector<1024x1xf32>
    %div3A = vector.broadcast %broadcast_in_dim3A : vector<1024x1xf32> to vector<1024x128xf32>
    %div3A_16 = arith.divf %add3A, %div3A : vector<1024x128xf32>
    %get3A_17 = arith.constant 0 : index
    %get3A_18 = arith.constant 0 : index
    %get3A_19 = vector.load %arg3[%get3A_17, %get3A_18] : memref<1024x1xf32, #tpu.memory_space<vmem>>, vector<1024x1xf32>
    %mul3A = vector.broadcast %get3A_19 : vector<1024x1xf32> to vector<1024x128xf32>
    %mul3A_20 = arith.mulf %div3A_16, %mul3A : vector<1024x128xf32>
    %swap3A = arith.constant 0 : index
    %swap3A_21 = arith.constant 0 : index
    %swap3A_22 = vector.load %arg4[%swap3A, %swap3A_21] : memref<1024x128xf32, #tpu.memory_space<vmem>>, vector<1024x128xf32>
    tpu.vector_store %arg4[%swap3A, %swap3A_21], %mul3A_20 {strides = array<i32>} : memref<1024x128xf32, #tpu.memory_space<vmem>>, vector<1024x128xf32>,
    return
  }
  func.func @transform_0(%arg0: i32) -> (i32, i32, i32) {
    %c0_i32 = arith.constant 0 : i32
    %c0_i32_0 = arith.constant 0 : i32
    %c0_i32_1 = arith.constant 0 : i32
    return %c0_i32, %arg0, %c0_i32_0 : i32, i32, i32
  }
  func.func @transform_1(%arg0: i32) -> (i32, i32, i32) {
    %c0_i32 = arith.constant 0 : i32
    %c0_i32_0 = arith.constant 0 : i32
    %c0_i32_1 = arith.constant 0 : i32
    return %c0_i32, %c0_i32_0, %arg0 : i32, i32, i32
  }
  func.func @transform_2(%arg0: i32) -> (i32, i32) {
    %c0_i32 = arith.constant 0 : i32
    %c0_i32_0 = arith.constant 0 : i32
    return %arg0, %c0_i32 : i32, i32
  }
  func.func @transform_3(%arg0: i32) -> (i32, i32) {
    %c0_i32 = arith.constant 0 : i32
    %c0_i32_0 = arith.constant 0 : i32
    return %arg0, %c0_i32 : i32, i32
  }
}

module attributes {stable_mosaic.version = 14 : i64} {
  func.func @_fin_body(%arg0: i32, %arg1: memref<2x1024x128xf32, #tpu.memory_space<vmem>>, %arg2: memref<1024x1xf32, #tpu.memory_space<vmem>>, %arg3: memref<1024x128xf32, #tpu.memory_space<vmem>>, %arg4: memref<128x128xf32, #tpu.memory_space<vmem>>, %arg5: memref<2xf32, #tpu.memory_space<smem>>, %arg6: memref<1024x128xf32, #tpu.memory_space<vmem>>) attributes {dimension_semantics = [#tpu.dimension_semantics<arbitrary>], iteration_bounds = array<i64: 10>, scalar_prefetch = 0 : i64, scratch_operands = 0 : i64, tpu.core_type = #tpu.core_type<tc>, window_params = [{transform_indices = @transform_0, window_bounds = array<i64: 2, 1024, 128>}, {transform_indices = @transform_1, window_bounds = array<i64: 1024, 1>}, {transform_indices = @transform_2, window_bounds = array<i64: 1024, 128>}, {pipeline_mode = #tpu.pipeline_mode<synchronous>, transform_indices = @transform_3, window_bounds = array<i64: 128, 128>}, {transform_indices = @transform_4, window_bounds = array<i64: 2>}, {transform_indices = @transform_5, window_bounds = array<i64: 1024, 128>}]} {
    %get3A = arith.constant 0 : index
    %get3A_0 = arith.constant 0 : index
    %get3A_1 = arith.constant 0 : index
    %get3A_2 = vector.load %arg1[%get3A, %get3A_0, %get3A_1] : memref<2x1024x128xf32, #tpu.memory_space<vmem>>, vector<1x1024x128xf32>
    %get3A_3 = vector.shape_cast %get3A_2 : vector<1x1024x128xf32> to vector<1024x128xf32>
    %get3A_4 = arith.constant 1 : index
    %get3A_5 = arith.constant 0 : index
    %get3A_6 = arith.constant 0 : index
    %get3A_7 = vector.load %arg1[%get3A_4, %get3A_5, %get3A_6] : memref<2x1024x128xf32, #tpu.memory_space<vmem>>, vector<1x1024x128xf32>
    %get3A_8 = vector.shape_cast %get3A_7 : vector<1x1024x128xf32> to vector<1024x128xf32>
    %add3A = arith.addf %get3A_3, %get3A_8 : vector<1024x128xf32>
    %get3A_9 = arith.constant 0 : index
    %get3A_10 = arith.constant 0 : index
    %get3A_11 = vector.load %arg2[%get3A_9, %get3A_10] : memref<1024x1xf32, #tpu.memory_space<vmem>>, vector<1024x1xf32>
    %mul3A = vector.broadcast %get3A_11 : vector<1024x1xf32> to vector<1024x128xf32>
    %mul3A_12 = arith.mulf %add3A, %mul3A : vector<1024x128xf32>
    %mul3A_13 = arith.mulf %mul3A_12, %mul3A_12 : vector<1024x128xf32>
    %reduce_sum3A = arith.constant dense<0.000000e+00> : vector<1024xf32>
    %reduce_sum3A_14 = vector.multi_reduction <add>, %mul3A_13, %reduce_sum3A [1] : vector<1024x128xf32> to vector<1024xf32>
    %broadcast_in_dim3A = vector.shape_cast %reduce_sum3A_14 : vector<1024xf32> to vector<1024x1xf32>
    %sqrt3A = math.sqrt %broadcast_in_dim3A : vector<1024x1xf32>
    %gt3A = arith.constant 0.000000e+00 : f32
    %gt3A_15 = vector.broadcast %gt3A : f32 to vector<1024x1xf32>
    %gt3A_16 = arith.cmpf ogt, %sqrt3A, %gt3A_15 : vector<1024x1xf32>
    %div3A = arith.constant 1.000000e+00 : f32
    %div3A_17 = vector.broadcast %div3A : f32 to vector<1024x1xf32>
    %div3A_18 = arith.divf %div3A_17, %sqrt3A : vector<1024x1xf32>
    %jit3A = arith.constant 0.000000e+00 : f32
    %broadcast_in_dim3A_19 = vector.broadcast %jit3A : f32 to vector<1024x1xf32>
    %select_n3A = arith.select %gt3A_16, %div3A_18, %broadcast_in_dim3A_19 : vector<1024x1xi1>, vector<1024x1xf32>
    %mul3A_20 = vector.broadcast %select_n3A : vector<1024x1xf32> to vector<1024x128xf32>
    %mul3A_21 = arith.mulf %mul3A_12, %mul3A_20 : vector<1024x128xf32>
    %get3A_22 = arith.constant 0 : index
    %get3A_23 = memref.load %arg5[%get3A_22] : memref<2xf32, #tpu.memory_space<smem>>
    %get3A_24 = arith.constant 1 : index
    %get3A_25 = memref.load %arg5[%get3A_24] : memref<2xf32, #tpu.memory_space<smem>>
    %sub3A = arith.constant 1.000000e+00 : f32
    %sub3A_26 = arith.subf %sub3A, %get3A_23 : f32
    %mul3A_27 = vector.broadcast %sub3A_26 : f32 to vector<1024x128xf32>
    %mul3A_28 = arith.mulf %mul3A_27, %mul3A_21 : vector<1024x128xf32>
    %get3A_29 = arith.constant 0 : index
    %get3A_30 = arith.constant 0 : index
    %get3A_31 = vector.load %arg3[%get3A_29, %get3A_30] : memref<1024x128xf32, #tpu.memory_space<vmem>>, vector<1024x128xf32>
    %mul3A_32 = vector.broadcast %get3A_23 : f32 to vector<1024x128xf32>
    %mul3A_33 = arith.mulf %mul3A_32, %get3A_31 : vector<1024x128xf32>
    %add3A_34 = arith.addf %mul3A_28, %mul3A_33 : vector<1024x128xf32>
    %sub3A_35 = arith.constant 1.000000e+00 : f32
    %sub3A_36 = arith.subf %sub3A_35, %get3A_25 : f32
    %mul3A_37 = vector.broadcast %sub3A_36 : f32 to vector<1024x128xf32>
    %mul3A_38 = arith.mulf %mul3A_37, %add3A_34 : vector<1024x128xf32>
    %get3A_39 = arith.constant 0 : index
    %get3A_40 = arith.constant 0 : index
    %get3A_41 = vector.load %arg4[%get3A_39, %get3A_40] : memref<128x128xf32, #tpu.memory_space<vmem>>, vector<128x128xf32>
    %dot_general3A = arith.constant dense<0.000000e+00> : vector<1024x128xf32>
    %dot_general3A_42 = tpu.matmul %add3A_34, %get3A_41, %dot_general3A {dimension_numbers = #tpu.dot_dimension_numbers<[1], [0], [0], [1], [0, 0, 1, 1], [], []>, transpose_lhs_hint = false} : vector<1024x128xf32>, vector<128x128xf32>, vector<1024x128xf32> -> vector<1024x128xf32>
    %mul3A_43 = vector.broadcast %get3A_25 : f32 to vector<1024x128xf32>
    %mul3A_44 = arith.mulf %mul3A_43, %dot_general3A_42 : vector<1024x128xf32>
    %add3A_45 = arith.addf %mul3A_38, %mul3A_44 : vector<1024x128xf32>
    %swap3A = arith.constant 0 : index
    %swap3A_46 = arith.constant 0 : index
    %swap3A_47 = vector.load %arg6[%swap3A, %swap3A_46] : memref<1024x128xf32, #tpu.memory_space<vmem>>, vector<1024x128xf32>
    tpu.vector_store %arg6[%swap3A, %swap3A_46], %add3A_45 {strides = array<i32>} : memref<1024x128xf32, #tpu.memory_space<vmem>>, vector<1024x128xf32>,
    return
  }
  func.func @transform_0(%arg0: i32) -> (i32, i32, i32) {
    %c0_i32 = arith.constant 0 : i32
    %c0_i32_0 = arith.constant 0 : i32
    %c0_i32_1 = arith.constant 0 : i32
    return %c0_i32, %arg0, %c0_i32_0 : i32, i32, i32
  }
  func.func @transform_1(%arg0: i32) -> (i32, i32) {
    %c0_i32 = arith.constant 0 : i32
    %c0_i32_0 = arith.constant 0 : i32
    return %arg0, %c0_i32 : i32, i32
  }
  func.func @transform_2(%arg0: i32) -> (i32, i32) {
    %c0_i32 = arith.constant 0 : i32
    %c0_i32_0 = arith.constant 0 : i32
    return %arg0, %c0_i32 : i32, i32
  }
  func.func @transform_3(%arg0: i32) -> (i32, i32) {
    %c0_i32 = arith.constant 0 : i32
    %c0_i32_0 = arith.constant 0 : i32
    %c0_i32_1 = arith.constant 0 : i32
    return %c0_i32, %c0_i32_0 : i32, i32
  }
  func.func @transform_4(%arg0: i32) -> i32 {
    %c0_i32 = arith.constant 0 : i32
    %c0_i32_0 = arith.constant 0 : i32
    return %c0_i32 : i32
  }
  func.func @transform_5(%arg0: i32) -> (i32, i32) {
    %c0_i32 = arith.constant 0 : i32
    %c0_i32_0 = arith.constant 0 : i32
    return %arg0, %c0_i32 : i32, i32
  }
}

</mosaic_0001>

<sc_bundles>
// kernel: kernel.6.cloned.1.call-start
scs
__scs_entry_jumppad:
0x0: {  	(pc) =	sbr.rel $0x88, $3  }
0x1: {  	(tag) =	ssettag $0x0;
	lr =	simm.s32 $0x1  }
0x2: {  	[smem:$0x3F98] =	sst lr;
	_ =	strace $0xD0000000  }
0x3: {  	_ = 	snop  }
0x4: {  	_ = 	snop  }
0x5: {  	_ = 	snop  }
0x6: {  	_ = 	snop  }
0x7: {  	_ = 	snop  }
__scs_overlays_trampoline_lowered:
0x8: {  	[smem:$0x3FA7] =	sst s0  }
0x9: {  	[smem:$0x3FA8] =	sst s1  }
0xa: {  	[smem:$0x3FA9] =	sst s2  }
0xb: {  	[smem:$0x3FAA] =	sst s3  }
0xc: {  	[smem:$0x3FAB] =	sst s4  }
0xd: {  	[smem:$0x3FAC] =	sst s5  }
0xe: {  	[smem:$0x3FAD] =	sst s6  }
0xf: {  	[smem:$0x3FAE] =	sst s7  }
0x10: {  	[smem:$0x3FAF] =	sst s8  }
0x11: {  	[smem:$0x3FB0] =	sst s9;
	s0 =	simm.s32 @!p0 $0x0  }
0x12: {  	s1 =	sld [smem:$0x3F96];
	s0 =	simm.s32 @p0 $0x1  }
0x13: {  	[smem:$0x3FB1] =	sst s0;
	s0 =	simm.s32 @!p1 $0x0  }
0x14: {  	s2 =	sld [smem:$0x3F95];
	s0 =	simm.s32 @p1 $0x1  }
0x15: {  	[smem:$0x3FB2] =	sst s0;
	s0 =	simm.s32 @!p2 $0x0  }
0x16: {  	s3 =	sld [smem:$0x3FDB];
	s0 =	simm.s32 @p2 $0x1  }
0x17: {  	s4 =	simm.s32 $0x1BF5;
	[smem:$0x3FB4] =	sst s0  }
0x18: {  	s0 =	sld [smem:$0x3F97];
	_ =	swait.ge [sflag:s4], $0x0  }
0x19: {  	s7 =	sld [smem:$0x3F98]  }
0x1a: {  	s8 =	sadd.s32 $0xFFFFE003, lr  }
0x1b: {  	s9 =	sadd.s32 $0xFFFFFEF7, lr;
	s5 =	simm.s32 $0xFFFFFFFF;
	p2 =	slt.u32 s8, $0xFFFFF086  }
0x1c: {  	p1 =	slt.u32 s9, $0xF7A;
	s5 =	simm.s32 @!p2 $0x0  }
0x1d: {  	s5 =	simm.s32 @p1 $0x1;
	p0 =	seq.s32 s7, s2  }
0x1e: {  	s7 =	smul.u32 @!p0 $0xF7A, s2;
	p2 =	seq.s32 @!p0 s5, $0x0  }
0x1f: {  	s9 =	smul.u32 $0xF7A, s1;
	s8 =	simm.s32 @!p0 $0x1BF5;
	p2 =	por !p2, p0  }
0x20: {  	[sflag:s8] =	ssyncset.s32 @!p0 $0xFFFFF086;
	s6 =	sadd.s32 @!p0 s3, s7;
	s7 =	simm.s32 @!p0 $0x108  }
0x21: {  	s3 =	sadd.s32 s3, s9;
	s6 =	sadd.s32 @!p0 $0x88, s6;
	s7 =	simm.s32 @p2 $0x1082  }
0x22: {  	[simem:s7], [sflag:s8] =	dma.local @!p0 [hbm:s6], $0xF7A  }
0x23: {  	s9 =	sor.u32 $0xD0000000, s2;
	s6 =	simm.s32 $0x108;
	_ =	swait.ge @!p0 [sflag:s8], $0x0  }
0x24: {  	s3 =	sadd.s32 $0x88, s3;
	s6 =	simm.s32 @!p1 $0x1082;
	[sflag:s4] =	ssyncset.s32 $0xFFFFF086  }
0x25: {  	[simem:s6], [sflag:s4] =	dma.local [hbm:s3], $0xF7A  }
0x26: {  	[smem:$0x3F98] =	sst s1;
	(tag) =	ssettag s2;
	_ =	strace s9  }
0x27: {  	s1 =	sld [smem:$0x3FA8]  }
0x28: {  	s2 =	sld [smem:$0x3FA9]  }
0x29: {  	s4 =	sld [smem:$0x3FAB]  }
0x2a: {  	p0 =	seq.s32 s5, $0x0;
	s5 =	sld [smem:$0x3FAC]  }
0x2b: {  	s6 =	sld [smem:$0x3FAD]  }
0x2c: {  	s7 =	sld [smem:$0x3FAE]  }
0x2d: {  	s3 =	simm.s32 $0x108;
	s8 =	sld [smem:$0x3FAF]  }
0x2e: {  	s3 =	simm.s32 @!p0 $0x1082;
	s9 =	sld [smem:$0x3FB0]  }
0x2f: {  	lr =	sadd.s32 s0, s3;
	s0 =	sld [smem:$0x3FA7]  }
0x30: {  	s3 =	sld [smem:$0x3FAA]  }
0x31: {  	[smem:$0x3FB3] =	sst s10  }
0x32: {  	s10 =	sld [smem:$0x3FB1];
	_ =	sdelay $0x3  }
0x33: {  	p0 =	seq.s32 s10, $0x1;
	s10 =	sld [smem:$0x3FB3];
	_ =	sdelay $0x3  }
0x34: {  	[smem:$0x3FB3] =	sst s10  }
0x35: {  	s10 =	sld [smem:$0x3FB2];
	_ =	sdelay $0x3  }
0x36: {  	p1 =	seq.s32 s10, $0x1;
	s10 =	sld [smem:$0x3FB3];
	_ =	sdelay $0x3  }
0x37: {  	[smem:$0x3FB3] =	sst s10  }
0x38: {  	s10 =	sld [smem:$0x3FB4]  }
0x39: {  	_ = 	snop;
	(pc) =	sbr.ind lr, $3  }
0x3a: {  	_ = 	snop  }
0x3b: {  	_ = 	snop  }
0x3c: {  	p2 =	seq.s32 s10, $0x1;
	s10 =	sld [smem:$0x3FB3]  }
0x3d: {  	_ =	shalt  }
0x3e: {  	_ =	shalt  }
0x3f: {  	_ =	shalt  }
0x40: {  	_ =	shalt  }
0x41: {  	_ =	shalt  }
0x42: {  	_ =	shalt  }
0x43: {  	_ =	shalt  }
0x44: {  	_ =	shalt  }
0x45: {  	_ =	shalt  }
0x46: {  	_ =	shalt  }
0x47: {  	_ =	shalt  }
0x48: {  	_ =	shalt  }
0x49: {  	_ =	shalt  }
0x4a: {  	_ =	shalt  }
0x4b: {  	_ =	shalt  }
0x4c: {  	_ =	shalt  }
0x4d: {  	_ =	shalt  }
0x4e: {  	_ =	shalt  }
0x4f: {  	_ =	shalt  }
0x50: {  	_ =	shalt  }
0x51: {  	_ =	shalt  }
0x52: {  	_ =	shalt  }
0x53: {  	_ =	shalt  }
0x54: {  	_ =	shalt  }
0x55: {  	_ =	shalt  }
0x56: {  	_ =	shalt  }
0x57: {  	_ =	shalt  }
0x58: {  	_ =	shalt  }
0x59: {  	_ =	shalt  }
0x5a: {  	_ =	shalt  }
0x5b: {  	_ =	shalt  }
0x5c: {  	_ =	shalt  }
0x5d: {  	_ =	shalt  }
0x5e: {  	_ =	shalt  }
0x5f: {  	_ =	shalt  }
0x60: {  	_ =	shalt  }
0x61: {  	_ =	shalt  }
0x62: {  	_ =	shalt  }
0x63: {  	_ =	shalt  }
0x64: {  	_ =	shalt  }
0x65: {  	_ =	shalt  }
0x66: {  	_ =	shalt  }
0x67: {  	_ =	shalt  }
0x68: {  	_ =	shalt  }
0x69: {  	_ =	shalt  }
0x6a: {  	_ =	shalt  }
0x6b: {  	_ =	shalt  }
0x6c: {  	_ =	shalt  }
0x6d: {  	_ =	shalt  }
0x6e: {  	_ =	shalt  }
0x6f: {  	_ =	shalt  }
0x70: {  	_ =	shalt  }
0x71: {  	_ =	shalt  }
0x72: {  	_ =	shalt  }
0x73: {  	_ =	shalt  }
0x74: {  	_ =	shalt  }
0x75: {  	_ =	shalt  }
0x76: {  	_ =	shalt  }
0x77: {  	_ =	shalt  }
0x78: {  	_ =	shalt  }
0x79: {  	_ =	shalt  }
0x7a: {  	_ =	shalt  }
0x7b: {  	_ =	shalt  }
0x7c: {  	_ =	shalt  }
0x7d: {  	_ =	shalt  }
0x7e: {  	_ =	shalt  }
0x7f: {  	_ =	shalt  }
0x80: {  	_ =	shalt  }
0x81: {  	_ =	shalt  }
0x82: {  	_ =	shalt  }
0x83: {  	_ =	shalt  }
0x84: {  	_ =	shalt  }
0x85: {  	_ =	shalt  }
0x86: {  	_ =	shalt  }
0x87: {  	_ =	shalt  }
.Lfunc_end0:
.L_simem_size_0:
called_computation_lowered:
.L_overlay_start_0:
0x88: {  	s2 =	sld [smem:$0x3FD9]  }
0x89: {  	s3 =	sld [smem:$0x3FFE];
	_ =	sdelay $0x1  }
0x8a: {  	s1 =	srdreg.scid  }
0x8b: {  	s0 =	sand.u32 $0x1, s1  }
0x8c: {  	s17 =	sshll.u32 s0, $0xA;
	s2 =	sadd.s32 s3, s2  }
0x8d: {  	s2 =	sadd.s32 s2, s17  }
0x8e: {  	[smem:$0x3FBF] =	sst s2  }
0x8f: {  	_ = 	snop  }
0x90: {  	s2 =	sld [smem:$0x3FC9];
	(tm) =	ssettm $0x1  }
0x91: {  	s18 =	sld [smem:$0x3FFB];
	_ =	sdelay $0x3  }
0x92: {  	_ =	strace s18  }
0x93: {  	s3 =	sld [smem:$0x3FFC];
	_ =	sdelay $0x3  }
0x94: {  	_ =	strace s3  }
0x95: {  	s3 =	sld [smem:$0x3FFD];
	_ =	sdelay $0x3  }
0x96: {  	_ =	strace s3  }
0x97: {  	_ =	strace $0x8FFFFFFF  }
0x98: {  	s19 =	sld [smem:$0x3FDB];
	_ =	sdelay $0x1  }
0x99: {  	s4 =	simm.s32 $_scs_section_size  }
0x9a: {  	s5 =	simm.s32 $_size__tile_overlayer_lowered;
	s6 =	simm.s32 $_tile_overlayer_lowered  }
0x9b: {  	s22 =	simm.s32 $0x1BFF;
	s21 =	sshll.u32 s6, $0x1;
	s3 =	sadd.s32 s4, s19  }
0x9c: {  	s7 =	simm.s32 $0x0;
	s20 =	sshll.u32 s5, $0x1;
	s5 =	sadd.s32 s21, s3  }
0x9d: {  	[timem:s7], [sflag:s22] =	dma.local [hbm:s5], s20  }
0x9e: {  	_ =	swait.ge [sflag:s22], s20  }
0x9f: {  	s4 =	ssub.s32 $0x0, s20;
	[sflag:s22] =	ssyncset.done $0x0  }
0xa0: {  	[sflag:s22] =	ssyncadd.s32 s4;
	_ =	sdelay $0x1  }
0xa1: {  	s23 =	simm.s32 $0x1B8B  }
0xa2: {  	_ =	swait.ge [sflag:s23], $0x1  }
0xa3: {  	[sflag:s23] =	ssyncset.done $0x0  }
0xa4: {  	s25 =	simm.s32 $0x1B8E;
	s24 =	sld [smem:$0x3FFE];
	[sflag:s23] =	ssyncadd.s32 $0xFFFFFFFF  }
0xa5: {  	s26 =	simm.s32 $execute0_lowered;
	[smem:$0x3FD2] =	sst s25  }
0xa6: {  	s5 =	sshll.u32 s26, $0x1;
	_ =	strace $0x80000046;
	[dreg:$0x1] =	wrdreg $0xFFFFFFFF  }
0xa7: {  	s28 =	simm.s32 $_size_execute0_lowered;
	s3 =	sadd.s32 s3, s5;
	[dreg:$0x0] =	wrdreg $0x0  }
0xa8: {  	s5 =	sshll.u32 s28, $0x1;
	[dreg:$0x2] =	wrdreg s3  }
0xa9: {  	[dreg:$0x3] =	wrdreg s5  }
0xaa: {  	[dreg:$0x4] =	wrdreg $0xC0  }
0xab: {  	_ =	task [dreg:s7], $0x5FFFF  }
0xac: {  	[dreg:$0x1] =	wrdreg $0xFFFFFFFF  }
0xad: {  	[dreg:$0x0] =	wrdreg $0x60  }
0xae: {  	[dreg:$0x2] =	wrdreg s2  }
0xaf: {  	[dreg:$0x3] =	wrdreg s24  }
0xb0: {  	[dreg:$0x4] =	wrdreg $0x70000  }
0xb1: {  	[dreg:$0x5] =	wrdreg $0x9  }
0xb2: {  	_ =	task.clear_ibuf [dreg:s7], $0x6FFFF;
	_ =	strace $0x90000046  }
0xb3: {  	s29 =	simm.s32 $0x9;
	_ =	strace $0x80000048  }
0xb4: {  	_ =	swait.ge [sflag:s29], $0x1  }
0xb5: {  	[sflag:s29] =	ssyncadd.s32 $0xFFFFFFFF  }
0xb6: {  	_ =	strace $0x90000048  }
0xb7: {  	_ =	sfence  }
0xb8: {  	s30 =	sld [smem:$0x0];
	_ =	sdelay $0x2  }
0xb9: {  	s31 =	sshll.u32 s1, $0xD;
	s1 =	sshrl.u32 s1, $0x2  }
0xba: {  	s3 =	sand.u32 $0x4000, s31;
	s1 =	sadd.s32 s1, s30  }
0xbb: {  	s0 =	sor.u32 s3, s0;
	s1 =	sshll.u32 s1, $0x11  }
0xbc: {  	s0 =	sor.u32 s1, s0  }
0xbd: {  	s0 =	sadd.s32 $0x8F2B, s0  }
0xbe: {  	[sflag:s0] =	ssyncadd.remote.s32 $0x1  }
0xbf: {  	_ =	sfence.sel $0xFFFF  }
0xc0: {  	[dreg:$0x0] =	wrdreg $0xFFFFFFFF;
	(pc) =	sbr.abs _section_cstart, $3  }
0xc1: {  	[dreg:$0x1] =	wrdreg $0xFFFFFFFF  }
0xc2: {  	_ =	task.clear_ibuf [dreg:s7], $0x2FFFF;
	_ =	strace $0x9FFFFFFF  }
0xc3: {  	(tm) =	ssettm $0x7FFFFFFF  }
tec
execute0_lowered:
.L_overlay_start_1:
0x0: {  	(tag) =	ssettag $0x1  }
0x1: {  	s1 =	rddreg [dreg:$0x0]  }
0x2: {  	s9 =	rddreg [dreg:$0x1]  }
0x3: {  	s3 =	rddreg [dreg:$0x2]  }
0x4: {  	s5 =	srdreg.scid;
	s4 =	simm.s32 $0x0;
	s0 =	stileid.u32  }
0x5: {  	s28 =	simm.s32 $0x1;
	s29 =	simm.s32 $0x0;
	s10 =	sand.u32 $0x1, s5  }
0x6: {  	[smem:$0x7FF] =	sst s4;
	s23 =	sshrl.u32 s0, $0x3;
	s13 =	smul.u32 $0x50000, s0  }
0x7: {  	s5 =	sadd.s32 $0xC600, s9;
	s6 =	sadd.s32 $0x2600, s9;
	s14 =	smul.u32 $0x14000, s0  }
0x8: {  	s12 =	sshll.u32 s0, $0x7;
	s7 =	sadd.s32 $0x20600, s9;
	s8 =	smul.u32 $0x28000, s10  }
0x9: {  	s19 =	sadd.s32 $0x21400, s9;
	_ =	strace $0x80000047;
	s11 =	smul.u32 $0x14000, s23  }
0xa: {  	s12 =	sand.u32 $0x380, s12;
	s24 =	ssub.s32 $0x2, s10;
	s26 =	sshll.u32 s10, $0x4  }
0xb: {  	s22 =	smul.u32 $0x140000, s10;
	s25 =	sshrl.u32 s24, $0x1;
	s30 =	sshrl.u32 s13, $0x2  }
0xc: {  	s15 =	sor.u32 s0, s26;
	s31 =	sadd.s32 $0x4000, s14;
	s17 =	sadd.s32 $0x8000, s14  }
0xd: {  	s18 =	sadd.s32 $0xC000, s14;
	s23 =	sadd.s32 $0x10000, s14;
	s26 =	simm.s32 $0x80  }
0xe: {  	s11 =	sadd.s32 s8, s11;
	s8 =	sadd.s32 $0x20E00, s9;
	s21 =	ssub.s32 s24, s25  }
0xf: {  	s10 =	sadd.s32 s31, s3;
	s14 =	sadd.s32 s14, s22;
	s16 =	sadd.s32 s22, s31  }
0x10: {  	s13 =	sadd.s32 s23, s3;
	s25 =	simm.s32 $0x400;
	s11 =	sor.u32 s12, s11  }
0x11: {  	s12 =	sadd.s32 s18, s3;
	s24 =	sshrl.u32 s14, $0x3;
	s16 =	sshrl.u32 s16, $0x3  }
0x12: {  	s14 =	smul.u32 $0xA, s15;
	s18 =	sadd.s32 s22, s18;
	s21 =	smax.u32 s21, $0x1  }
0x13: {  	s11 =	sshrl.u32 s11, $0x3;
	s15 =	sadd.s32 s19, s24;
	s16 =	sadd.s32 s19, s16  }
0x14: {  	s18 =	sshrl.u32 s18, $0x3;
	s24 =	simm.s32 $0x4800;
	s20 =	sadd.s32 s11, s9  }
0x15: {  	s9 =	sadd.s32 s30, s3;
	s11 =	sadd.s32 s17, s3;
	s17 =	sadd.s32 s22, s17  }
0x16: {  	s22 =	sadd.s32 s22, s23;
	s18 =	sadd.s32 s19, s18;
	s23 =	simm.s32 $0x2  }
0x17: {  	s17 =	sshrl.u32 s17, $0x3;
	s22 =	sshrl.u32 s22, $0x3;
	s20 =	sadd.s32 $0x71400, s20  }
0x18: {  	s17 =	sadd.s32 s19, s17;
	s19 =	sadd.s32 s19, s22;
	s22 =	simm.s32 $0x800  }
.LBB2_1:
0x19: {  	[tilespmem:s22], [sflag:$0x2] =	stream.linear.gather [hbm4b:s7+s4], $0x4000, $0x38;
	[tilespmem:$0x1B000] =	vst v63  }
0x1a: {  	_ =	swait.ge [sflag:s23], $0x4000  }
0x1b: {  	[sflag:s23] =	ssyncset.done $0x0  }
0x1c: {  	[sflag:s23] =	ssyncadd.s32 $0xFFFFC000  }
0x1d: {  	[spmem:s9] =	stream.linear.scatter [tilespmem:s22], [sflag:$0x2], $0x4000, $0x38;
	[tilespmem:$0x1B000] =	vst v63  }
0x1e: {  	_ =	swait.ge [sflag:s23], $0x4000  }
0x1f: {  	[sflag:s23] =	ssyncset.done $0x0  }
0x20: {  	[sflag:s23] =	ssyncadd.s32 $0xFFFFC000  }
0x21: {  	[spmem:s10] =	stream.linear.scatter [tilespmem:s22], [sflag:$0x2], $0x4000, $0x38;
	[tilespmem:$0x1B000] =	vst v63  }
0x22: {  	_ =	swait.ge [sflag:s23], $0x4000  }
0x23: {  	[sflag:s23] =	ssyncset.done $0x0  }
0x24: {  	[sflag:s23] =	ssyncadd.s32 $0xFFFFC000  }
0x25: {  	[spmem:s11] =	stream.linear.scatter [tilespmem:s22], [sflag:$0x2], $0x4000, $0x38;
	[tilespmem:$0x1B000] =	vst v63  }
0x26: {  	_ =	swait.ge [sflag:s23], $0x4000  }
0x27: {  	[sflag:s23] =	ssyncset.done $0x0  }
0x28: {  	[sflag:s23] =	ssyncadd.s32 $0xFFFFC000  }
0x29: {  	[spmem:s12] =	stream.linear.scatter [tilespmem:s22], [sflag:$0x2], $0x4000, $0x38;
	[tilespmem:$0x1B000] =	vst v63  }
0x2a: {  	_ =	swait.ge [sflag:s23], $0x4000  }
0x2b: {  	[sflag:s23] =	ssyncset.done $0x0  }
0x2c: {  	[sflag:s23] =	ssyncadd.s32 $0xFFFFC000  }
0x2d: {  	[spmem:s13] =	stream.linear.scatter [tilespmem:s22], [sflag:$0x2], $0x4000, $0x38;
	[tilespmem:$0x1B000] =	vst v63  }
0x2e: {  	_ =	swait.ge [sflag:s23], $0x4000  }
0x2f: {  	[sflag:s23] =	ssyncset.done $0x0  }
0x30: {  	[sflag:s23] =	ssyncadd.s32 $0xFFFFC000  }
0x31: {  	[tilespmem:s24], [sflag:$0x2] =	stream.linear.gather [hbm4b:s8+s4], $0x2800, $0x38;
	[tilespmem:$0x1B000] =	vst v63  }
0x32: {  	_ =	swait.ge [sflag:s23], $0x2800  }
0x33: {  	[sflag:s23] =	ssyncset.done $0x0  }
0x34: {  	[sflag:s23] =	ssyncadd.s32 $0xFFFFD800  }
0x35: {  	s30 =	simm.s32 $0x0;
	[bflag:$0x0] =	sbarrier.arrive $0xFFFF  }
.LBB2_2:
0x36: {  	s31 =	sadd.s32 s14, s30  }
0x37: {  	s0 =	sshll.u32 s31, $0x7  }
0x38: {  	s31 =	simm.s32 $0x0;
	s2 =	sadd.s32 s5, s0  }
0x39: {  	[tilespmem:s31], [sflag:$0x2] =	stream.linear.gather [hbm4b:s2+s31], $0x400, $0x38;
	[tilespmem:$0x1B000] =	vst v63  }
0x3a: {  	_ =	swait.ge [sflag:s23], $0x400  }
0x3b: {  	[sflag:s23] =	ssyncset.done $0x0  }
0x3c: {  	s0 =	sadd.s32 s6, s0;
	[sflag:s23] =	ssyncadd.s32 $0xFFFFFC00  }
0x3d: {  	[tilespmem:s25], [sflag:$0x2] =	stream.linear.gather [hbm4b:s0+s31], $0x400, $0x38;
	[tilespmem:$0x1B000] =	vst v63  }
0x3e: {  	_ =	swait.ge [sflag:s23], $0x400  }
0x3f: {  	[sflag:s23] =	ssyncset.done $0x0  }
0x40: {  	[sflag:s23] =	ssyncadd.s32 $0xFFFFFC00  }
.LBB2_3:
0x41: {  	s0 =	sshra.s32 s31, $0x2  }
0x42: {  	[tilespmem:s22], [sflag:$0x1] =	stream.indirect.gather [hbm4b:s1+s26], $0x80, s0, s26, $0xb8;
	[tilespmem:$0x1B000] =	vst v63  }
0x43: {  	_ =	swait.ge [sflag:s28], $0x4000  }
0x44: {  	[sflag:s28] =	ssyncset.done $0x0  }
0x45: {  	s2 =	sadd.s32 $0x400, s0;
	[sflag:s28] =	ssyncadd.s32 $0xFFFFC000  }
0x46: {  	[spmem:s3] =	stream.indirect.scatter.add.f32 [tilespmem:s22], [sflag:$0x2], $0x80, s2, s26, $0xb8;
	[tilespmem:$0x1B000] =	vst v63  }
0x47: {  	_ =	swait.ge [sflag:s23], $0x4000  }
0x48: {  	[sflag:s23] =	ssyncset.done $0x0  }
0x49: {  	[sflag:s23] =	ssyncadd.s32 $0xFFFFC000  }
0x4a: {  	v0 =	vld [tilespmem:s0+$0x400];
	_ =	sdelay $0x4  }
0x4b: {  	(xrf1) =	vunique.msk.u32 $0xffff, v0;
	_ =	sdelay $0xd  }
0x4c: {  	_, v1, vm0 =	vpop (xrf1);
	_ =	sdelay $0x5  }
0x4d: {  	[tilespmem:v0+s24+$0x0] =	vst.idx.add.s32.msk vm0, v1  }
0x4e: {  	v0 =	vld [tilespmem:s0+$0x410];
	_ =	sdelay $0x4  }
0x4f: {  	(xrf1) =	vunique.msk.u32 $0xffff, v0;
	_ =	sdelay $0xd  }
0x50: {  	_, v1, vm0 =	vpop (xrf1);
	_ =	sdelay $0x5  }
0x51: {  	[tilespmem:v0+s24+$0x0] =	vst.idx.add.s32.msk vm0, v1  }
0x52: {  	v0 =	vld [tilespmem:s0+$0x420];
	_ =	sdelay $0x4  }
0x53: {  	(xrf1) =	vunique.msk.u32 $0xffff, v0;
	_ =	sdelay $0xd  }
0x54: {  	_, v1, vm0 =	vpop (xrf1);
	_ =	sdelay $0x5  }
0x55: {  	[tilespmem:v0+s24+$0x0] =	vst.idx.add.s32.msk vm0, v1  }
0x56: {  	v0 =	vld [tilespmem:s0+$0x430];
	_ =	sdelay $0x4  }
0x57: {  	(xrf1) =	vunique.msk.u32 $0xffff, v0;
	_ =	sdelay $0xd  }
0x58: {  	_, v1, vm0 =	vpop (xrf1);
	_ =	sdelay $0x5  }
0x59: {  	[tilespmem:v0+s24+$0x0] =	vst.idx.add.s32.msk vm0, v1  }
0x5a: {  	v0 =	vld [tilespmem:s0+$0x440];
	_ =	sdelay $0x4  }
0x5b: {  	(xrf1) =	vunique.msk.u32 $0xffff, v0;
	_ =	sdelay $0xd  }
0x5c: {  	_, v1, vm0 =	vpop (xrf1);
	_ =	sdelay $0x5  }
0x5d: {  	[tilespmem:v0+s24+$0x0] =	vst.idx.add.s32.msk vm0, v1  }
0x5e: {  	v0 =	vld [tilespmem:s0+$0x450];
	_ =	sdelay $0x4  }
0x5f: {  	(xrf1) =	vunique.msk.u32 $0xffff, v0;
	_ =	sdelay $0xd  }
0x60: {  	_, v1, vm0 =	vpop (xrf1);
	_ =	sdelay $0x5  }
0x61: {  	[tilespmem:v0+s24+$0x0] =	vst.idx.add.s32.msk vm0, v1  }
0x62: {  	v0 =	vld [tilespmem:s0+$0x460];
	_ =	sdelay $0x4  }
0x63: {  	(xrf1) =	vunique.msk.u32 $0xffff, v0;
	_ =	sdelay $0xd  }
0x64: {  	_, v1, vm0 =	vpop (xrf1);
	_ =	sdelay $0x5  }
0x65: {  	[tilespmem:v0+s24+$0x0] =	vst.idx.add.s32.msk vm0, v1  }
0x66: {  	v0 =	vld [tilespmem:s0+$0x470];
	_ =	sdelay $0x4  }
0x67: {  	(xrf1) =	vunique.msk.u32 $0xffff, v0;
	_ =	sdelay $0xd  }
0x68: {  	_, v1, vm0 =	vpop (xrf1)  }
0x69: {  	p0 =	sne.s32 s31, $0xE00  }
.Ltmp0:
0x6a: {  	_ = 	snop;
	(pc) =	sbr.rel @p0 .LBB2_3-.Ltmp0, $2  }
0x6b: {  	_ =	sdelay $0x2  }
0x6c: {  	s31 =	sadd.s32 $0x200, s31;
	[tilespmem:v0+s24+$0x0] =	vst.idx.add.s32.msk vm0, v1  }
0x6d: {  	s30 =	sadd.s32 $0x1, s30  }
0x6e: {  	p0 =	sne.s32 s30, $0xA  }
.Ltmp1:
0x6f: {  	_ = 	snop;
	(pc) =	sbr.rel @p0 .LBB2_2-.Ltmp1, $1  }
0x70: {  	_ =	sdelay $0x3  }
0x71: {  	[bflag:$0x0] =	sbarrier.arrive $0xFFFF  }
0x72: {  	[tilespmem:s22], [sflag:$0x2] =	stream.linear.gather [spmem:s9], $0x4000, $0x38;
	[tilespmem:$0x1B000] =	vst v63  }
0x73: {  	_ =	swait.ge [sflag:s23], $0x4000  }
0x74: {  	[sflag:s23] =	ssyncset.done $0x0  }
0x75: {  	[sflag:s23] =	ssyncadd.s32 $0xFFFFC000  }
0x76: {  	[hbm4b:s15+s4] =	stream.linear.scatter [tilespmem:s22], [sflag:$0x2], $0x4000, $0x38;
	[tilespmem:$0x1B000] =	vst v63  }
0x77: {  	_ =	swait.ge [sflag:s23], $0x4000  }
0x78: {  	[sflag:s23] =	ssyncset.done $0x0  }
0x79: {  	[sflag:s23] =	ssyncadd.s32 $0xFFFFC000  }
0x7a: {  	[tilespmem:s22], [sflag:$0x2] =	stream.linear.gather [spmem:s10], $0x4000, $0x38;
	[tilespmem:$0x1B000] =	vst v63  }
0x7b: {  	_ =	swait.ge [sflag:s23], $0x4000  }
0x7c: {  	[sflag:s23] =	ssyncset.done $0x0  }
0x7d: {  	[sflag:s23] =	ssyncadd.s32 $0xFFFFC000  }
0x7e: {  	[hbm4b:s16+s4] =	stream.linear.scatter [tilespmem:s22], [sflag:$0x2], $0x4000, $0x38;
	[tilespmem:$0x1B000] =	vst v63  }
0x7f: {  	_ =	swait.ge [sflag:s23], $0x4000  }
0x80: {  	[sflag:s23] =	ssyncset.done $0x0  }
0x81: {  	[sflag:s23] =	ssyncadd.s32 $0xFFFFC000  }
0x82: {  	[tilespmem:s22], [sflag:$0x2] =	stream.linear.gather [spmem:s11], $0x4000, $0x38;
	[tilespmem:$0x1B000] =	vst v63  }
0x83: {  	_ =	swait.ge [sflag:s23], $0x4000  }
0x84: {  	[sflag:s23] =	ssyncset.done $0x0  }
0x85: {  	[sflag:s23] =	ssyncadd.s32 $0xFFFFC000  }
0x86: {  	[hbm4b:s17+s4] =	stream.linear.scatter [tilespmem:s22], [sflag:$0x2], $0x4000, $0x38;
	[tilespmem:$0x1B000] =	vst v63  }
0x87: {  	_ =	swait.ge [sflag:s23], $0x4000  }
0x88: {  	[sflag:s23] =	ssyncset.done $0x0  }
0x89: {  	[sflag:s23] =	ssyncadd.s32 $0xFFFFC000  }
0x8a: {  	[tilespmem:s22], [sflag:$0x2] =	stream.linear.gather [spmem:s12], $0x4000, $0x38;
	[tilespmem:$0x1B000] =	vst v63  }
0x8b: {  	_ =	swait.ge [sflag:s23], $0x4000  }
0x8c: {  	[sflag:s23] =	ssyncset.done $0x0  }
0x8d: {  	[sflag:s23] =	ssyncadd.s32 $0xFFFFC000  }
0x8e: {  	[hbm4b:s18+s4] =	stream.linear.scatter [tilespmem:s22], [sflag:$0x2], $0x4000, $0x38;
	[tilespmem:$0x1B000] =	vst v63  }
0x8f: {  	_ =	swait.ge [sflag:s23], $0x4000  }
0x90: {  	[sflag:s23] =	ssyncset.done $0x0  }
0x91: {  	[sflag:s23] =	ssyncadd.s32 $0xFFFFC000  }
0x92: {  	[tilespmem:s22], [sflag:$0x2] =	stream.linear.gather [spmem:s13], $0x4000, $0x38;
	[tilespmem:$0x1B000] =	vst v63  }
0x93: {  	_ =	swait.ge [sflag:s23], $0x4000  }
0x94: {  	[sflag:s23] =	ssyncset.done $0x0  }
0x95: {  	[sflag:s23] =	ssyncadd.s32 $0xFFFFC000  }
0x96: {  	[hbm4b:s19+s4] =	stream.linear.scatter [tilespmem:s22], [sflag:$0x2], $0x4000, $0x38;
	[tilespmem:$0x1B000] =	vst v63  }
0x97: {  	s29 =	sadd.s32 $0x1, s29;
	_ =	swait.ge [sflag:s23], $0x4000  }
0x98: {  	p0 =	sne.s32 s29, s21;
	[sflag:s23] =	ssyncset.done $0x0  }
.Ltmp2:
0x99: {  	[sflag:s23] =	ssyncadd.s32 $0xFFFFC000;
	(pc) =	sbr.rel @p0 .LBB2_1-.Ltmp2, $4  }
0x9a: {  	[hbm4b:s20+s26] =	stream.strided.scatter [tilespmem:s24], [sflag:$0x2], $0x2800, s25, s26, $0x38;
	[tilespmem:$0x1B000] =	vst v63  }
0x9b: {  	_ =	swait.ge [sflag:s23], $0x2800  }
0x9c: {  	[sflag:s23] =	ssyncset.done $0x0  }
0x9d: {  	[sflag:s23] =	ssyncadd.s32 $0xFFFFD800  }
0x9e: {  	_ =	sfence.sel $0x180000  }
0x9f: {  	[bflag:$0x0] =	sbarrier.arrive $0xFFFF  }
0xa0: {  	_ =	strace $0x90000047  }
0xa1: {  	s0 =	stileid.u32;
	[bflag:$0x2] =	sbarrier.arrive $0xFFFF  }
0xa2: {  	p0 =	sne.s32 s0, $0x0;
	s0 =	rddreg [dreg:$0x3]  }
0xa3: {  	s0 =	sadd.s32 @!p0 $0x100000, s0  }
0xa4: {  	[sflag:s0] =	ssyncadd.tile.s32 @!p0 $0x1;
	_ =	shalt  }
.Lfunc_end2:
_tile_overlayer_lowered:
.L_overlay_start_2:
0xa5: {  	(tag) =	ssettag $0x2  }
0xa6: {  	s0 =	rddreg [dreg:$0x0];
	s2 =	stileid.u32  }
0xa7: {  	s1 =	rddreg [dreg:$0x1];
	p0 =	sne.s32 s2, $0x0  }
0xa8: {  	s3 =	rddreg [dreg:$0x2];
	[bflag:$0x3] =	sbarrier.arrive $0xFFFF;
	s2 =	simm.s32 @!p0 $0x1C02  }
0xa9: {  	[timem:s3], [sflag:s2] =	dma.local @!p0 [hbm:s0], s1  }
0xaa: {  	s0 =	simm.s32 @!p0 $0x2  }
0xab: {  	_ =	swait.ge @!p0 [sflag:s0], s1  }
0xac: {  	s1 =	ssub.s32 @!p0 $0x0, s1;
	[sflag:s0] =	ssyncset.done @!p0 $0x0  }
0xad: {  	[sflag:s0] =	ssyncadd.s32 @!p0 s1  }
0xae: {  	[bflag:$0x3] =	sbarrier.arrive $0xFFFF  }
0xaf: {  	_ =	shalt  }

// kernel: kernel.9.cloned.1.call-start
scs
__scs_entry_jumppad:
0x0: {  	(pc) =	sbr.rel $0x88, $3  }
0x1: {  	(tag) =	ssettag $0x0;
	lr =	simm.s32 $0x1  }
0x2: {  	[smem:$0x3F98] =	sst lr;
	_ =	strace $0xD0000000  }
0x3: {  	_ = 	snop  }
0x4: {  	_ = 	snop  }
0x5: {  	_ = 	snop  }
0x6: {  	_ = 	snop  }
0x7: {  	_ = 	snop  }
__scs_overlays_trampoline_lowered:
0x8: {  	[smem:$0x3FA7] =	sst s0  }
0x9: {  	[smem:$0x3FA8] =	sst s1  }
0xa: {  	[smem:$0x3FA9] =	sst s2  }
0xb: {  	[smem:$0x3FAA] =	sst s3  }
0xc: {  	[smem:$0x3FAB] =	sst s4  }
0xd: {  	[smem:$0x3FAC] =	sst s5  }
0xe: {  	[smem:$0x3FAD] =	sst s6  }
0xf: {  	[smem:$0x3FAE] =	sst s7  }
0x10: {  	[smem:$0x3FAF] =	sst s8  }
0x11: {  	[smem:$0x3FB0] =	sst s9;
	s0 =	simm.s32 @!p0 $0x0  }
0x12: {  	s1 =	sld [smem:$0x3F96];
	s0 =	simm.s32 @p0 $0x1  }
0x13: {  	[smem:$0x3FB1] =	sst s0;
	s0 =	simm.s32 @!p1 $0x0  }
0x14: {  	s2 =	sld [smem:$0x3F95];
	s0 =	simm.s32 @p1 $0x1  }
0x15: {  	[smem:$0x3FB2] =	sst s0;
	s0 =	simm.s32 @!p2 $0x0  }
0x16: {  	s3 =	sld [smem:$0x3FDB];
	s0 =	simm.s32 @p2 $0x1  }
0x17: {  	s4 =	simm.s32 $0x1BF5;
	[smem:$0x3FB4] =	sst s0  }
0x18: {  	s0 =	sld [smem:$0x3F97];
	_ =	swait.ge [sflag:s4], $0x0  }
0x19: {  	s7 =	sld [smem:$0x3F98]  }
0x1a: {  	s8 =	sadd.s32 $0xFFFFE003, lr  }
0x1b: {  	s9 =	sadd.s32 $0xFFFFFEF7, lr;
	s5 =	simm.s32 $0xFFFFFFFF;
	p2 =	slt.u32 s8, $0xFFFFF086  }
0x1c: {  	p1 =	slt.u32 s9, $0xF7A;
	s5 =	simm.s32 @!p2 $0x0  }
0x1d: {  	s5 =	simm.s32 @p1 $0x1;
	p0 =	seq.s32 s7, s2  }
0x1e: {  	s7 =	smul.u32 @!p0 $0xF7A, s2;
	p2 =	seq.s32 @!p0 s5, $0x0  }
0x1f: {  	s9 =	smul.u32 $0xF7A, s1;
	s8 =	simm.s32 @!p0 $0x1BF5;
	p2 =	por !p2, p0  }
0x20: {  	[sflag:s8] =	ssyncset.s32 @!p0 $0xFFFFF086;
	s6 =	sadd.s32 @!p0 s3, s7;
	s7 =	simm.s32 @!p0 $0x108  }
0x21: {  	s3 =	sadd.s32 s3, s9;
	s6 =	sadd.s32 @!p0 $0x88, s6;
	s7 =	simm.s32 @p2 $0x1082  }
0x22: {  	[simem:s7], [sflag:s8] =	dma.local @!p0 [hbm:s6], $0xF7A  }
0x23: {  	s9 =	sor.u32 $0xD0000000, s2;
	s6 =	simm.s32 $0x108;
	_ =	swait.ge @!p0 [sflag:s8], $0x0  }
0x24: {  	s3 =	sadd.s32 $0x88, s3;
	s6 =	simm.s32 @!p1 $0x1082;
	[sflag:s4] =	ssyncset.s32 $0xFFFFF086  }
0x25: {  	[simem:s6], [sflag:s4] =	dma.local [hbm:s3], $0xF7A  }
0x26: {  	[smem:$0x3F98] =	sst s1;
	(tag) =	ssettag s2;
	_ =	strace s9  }
0x27: {  	s1 =	sld [smem:$0x3FA8]  }
0x28: {  	s2 =	sld [smem:$0x3FA9]  }
0x29: {  	s4 =	sld [smem:$0x3FAB]  }
0x2a: {  	p0 =	seq.s32 s5, $0x0;
	s5 =	sld [smem:$0x3FAC]  }
0x2b: {  	s6 =	sld [smem:$0x3FAD]  }
0x2c: {  	s7 =	sld [smem:$0x3FAE]  }
0x2d: {  	s3 =	simm.s32 $0x108;
	s8 =	sld [smem:$0x3FAF]  }
0x2e: {  	s3 =	simm.s32 @!p0 $0x1082;
	s9 =	sld [smem:$0x3FB0]  }
0x2f: {  	lr =	sadd.s32 s0, s3;
	s0 =	sld [smem:$0x3FA7]  }
0x30: {  	s3 =	sld [smem:$0x3FAA]  }
0x31: {  	[smem:$0x3FB3] =	sst s10  }
0x32: {  	s10 =	sld [smem:$0x3FB1];
	_ =	sdelay $0x3  }
0x33: {  	p0 =	seq.s32 s10, $0x1;
	s10 =	sld [smem:$0x3FB3];
	_ =	sdelay $0x3  }
0x34: {  	[smem:$0x3FB3] =	sst s10  }
0x35: {  	s10 =	sld [smem:$0x3FB2];
	_ =	sdelay $0x3  }
0x36: {  	p1 =	seq.s32 s10, $0x1;
	s10 =	sld [smem:$0x3FB3];
	_ =	sdelay $0x3  }
0x37: {  	[smem:$0x3FB3] =	sst s10  }
0x38: {  	s10 =	sld [smem:$0x3FB4]  }
0x39: {  	_ = 	snop;
	(pc) =	sbr.ind lr, $3  }
0x3a: {  	_ = 	snop  }
0x3b: {  	_ = 	snop  }
0x3c: {  	p2 =	seq.s32 s10, $0x1;
	s10 =	sld [smem:$0x3FB3]  }
0x3d: {  	_ =	shalt  }
0x3e: {  	_ =	shalt  }
0x3f: {  	_ =	shalt  }
0x40: {  	_ =	shalt  }
0x41: {  	_ =	shalt  }
0x42: {  	_ =	shalt  }
0x43: {  	_ =	shalt  }
0x44: {  	_ =	shalt  }
0x45: {  	_ =	shalt  }
0x46: {  	_ =	shalt  }
0x47: {  	_ =	shalt  }
0x48: {  	_ =	shalt  }
0x49: {  	_ =	shalt  }
0x4a: {  	_ =	shalt  }
0x4b: {  	_ =	shalt  }
0x4c: {  	_ =	shalt  }
0x4d: {  	_ =	shalt  }
0x4e: {  	_ =	shalt  }
0x4f: {  	_ =	shalt  }
0x50: {  	_ =	shalt  }
0x51: {  	_ =	shalt  }
0x52: {  	_ =	shalt  }
0x53: {  	_ =	shalt  }
0x54: {  	_ =	shalt  }
0x55: {  	_ =	shalt  }
0x56: {  	_ =	shalt  }
0x57: {  	_ =	shalt  }
0x58: {  	_ =	shalt  }
0x59: {  	_ =	shalt  }
0x5a: {  	_ =	shalt  }
0x5b: {  	_ =	shalt  }
0x5c: {  	_ =	shalt  }
0x5d: {  	_ =	shalt  }
0x5e: {  	_ =	shalt  }
0x5f: {  	_ =	shalt  }
0x60: {  	_ =	shalt  }
0x61: {  	_ =	shalt  }
0x62: {  	_ =	shalt  }
0x63: {  	_ =	shalt  }
0x64: {  	_ =	shalt  }
0x65: {  	_ =	shalt  }
0x66: {  	_ =	shalt  }
0x67: {  	_ =	shalt  }
0x68: {  	_ =	shalt  }
0x69: {  	_ =	shalt  }
0x6a: {  	_ =	shalt  }
0x6b: {  	_ =	shalt  }
0x6c: {  	_ =	shalt  }
0x6d: {  	_ =	shalt  }
0x6e: {  	_ =	shalt  }
0x6f: {  	_ =	shalt  }
0x70: {  	_ =	shalt  }
0x71: {  	_ =	shalt  }
0x72: {  	_ =	shalt  }
0x73: {  	_ =	shalt  }
0x74: {  	_ =	shalt  }
0x75: {  	_ =	shalt  }
0x76: {  	_ =	shalt  }
0x77: {  	_ =	shalt  }
0x78: {  	_ =	shalt  }
0x79: {  	_ =	shalt  }
0x7a: {  	_ =	shalt  }
0x7b: {  	_ =	shalt  }
0x7c: {  	_ =	shalt  }
0x7d: {  	_ =	shalt  }
0x7e: {  	_ =	shalt  }
0x7f: {  	_ =	shalt  }
0x80: {  	_ =	shalt  }
0x81: {  	_ =	shalt  }
0x82: {  	_ =	shalt  }
0x83: {  	_ =	shalt  }
0x84: {  	_ =	shalt  }
0x85: {  	_ =	shalt  }
0x86: {  	_ =	shalt  }
0x87: {  	_ =	shalt  }
.Lfunc_end0:
.L_simem_size_0:
called_computation.1_lowered:
.L_overlay_start_0:
0x88: {  	s2 =	sld [smem:$0x3FD9]  }
0x89: {  	s3 =	sld [smem:$0x3FFE];
	_ =	sdelay $0x1  }
0x8a: {  	s1 =	srdreg.scid  }
0x8b: {  	s0 =	sand.u32 $0x1, s1  }
0x8c: {  	s17 =	sshll.u32 s0, $0xA;
	s2 =	sadd.s32 s3, s2  }
0x8d: {  	s2 =	sadd.s32 s2, s17  }
0x8e: {  	[smem:$0x3FBF] =	sst s2  }
0x8f: {  	_ = 	snop  }
0x90: {  	s2 =	sld [smem:$0x3FD0];
	(tm) =	ssettm $0x1  }
0x91: {  	s18 =	sld [smem:$0x3FFB];
	_ =	sdelay $0x3  }
0x92: {  	_ =	strace s18  }
0x93: {  	s3 =	sld [smem:$0x3FFC];
	_ =	sdelay $0x3  }
0x94: {  	_ =	strace s3  }
0x95: {  	s3 =	sld [smem:$0x3FFD];
	_ =	sdelay $0x3  }
0x96: {  	_ =	strace s3  }
0x97: {  	_ =	strace $0x8FFFFFFF  }
0x98: {  	s19 =	sld [smem:$0x3FDB];
	_ =	sdelay $0x1  }
0x99: {  	s4 =	simm.s32 $_scs_section_size  }
0x9a: {  	s5 =	simm.s32 $_size__tile_overlayer_lowered;
	s6 =	simm.s32 $_tile_overlayer_lowered  }
0x9b: {  	s22 =	simm.s32 $0x1BFF;
	s21 =	sshll.u32 s6, $0x1;
	s3 =	sadd.s32 s4, s19  }
0x9c: {  	s7 =	simm.s32 $0x0;
	s20 =	sshll.u32 s5, $0x1;
	s5 =	sadd.s32 s21, s3  }
0x9d: {  	[timem:s7], [sflag:s22] =	dma.local [hbm:s5], s20  }
0x9e: {  	_ =	swait.ge [sflag:s22], s20  }
0x9f: {  	s4 =	ssub.s32 $0x0, s20;
	[sflag:s22] =	ssyncset.done $0x0  }
0xa0: {  	[sflag:s22] =	ssyncadd.s32 s4;
	_ =	sdelay $0x1  }
0xa1: {  	s23 =	simm.s32 $0x1B8B  }
0xa2: {  	_ =	swait.ge [sflag:s23], $0x1  }
0xa3: {  	[sflag:s23] =	ssyncset.done $0x0  }
0xa4: {  	s25 =	simm.s32 $0x1B8E;
	s24 =	sld [smem:$0x3FFE];
	[sflag:s23] =	ssyncadd.s32 $0xFFFFFFFF  }
0xa5: {  	s26 =	simm.s32 $execute0_lowered;
	[smem:$0x3FD2] =	sst s25  }
0xa6: {  	s5 =	sshll.u32 s26, $0x1;
	_ =	strace $0x80000049;
	[dreg:$0x1] =	wrdreg $0xFFFFFFFF  }
0xa7: {  	s28 =	simm.s32 $_size_execute0_lowered;
	s3 =	sadd.s32 s3, s5;
	[dreg:$0x0] =	wrdreg $0x0  }
0xa8: {  	s5 =	sshll.u32 s28, $0x1;
	[dreg:$0x2] =	wrdreg s3  }
0xa9: {  	[dreg:$0x3] =	wrdreg s5  }
0xaa: {  	[dreg:$0x4] =	wrdreg $0xC0  }
0xab: {  	_ =	task [dreg:s7], $0x5FFFF  }
0xac: {  	[dreg:$0x1] =	wrdreg $0xFFFFFFFF  }
0xad: {  	[dreg:$0x0] =	wrdreg $0x60  }
0xae: {  	[dreg:$0x2] =	wrdreg s24  }
0xaf: {  	[dreg:$0x3] =	wrdreg s2  }
0xb0: {  	[dreg:$0x4] =	wrdreg $0x48000  }
0xb1: {  	[dreg:$0x5] =	wrdreg $0x9  }
0xb2: {  	_ =	task.clear_ibuf [dreg:s7], $0x6FFFF;
	_ =	strace $0x90000049  }
0xb3: {  	s29 =	simm.s32 $0x9;
	_ =	strace $0x8000004B  }
0xb4: {  	_ =	swait.ge [sflag:s29], $0x1  }
0xb5: {  	[sflag:s29] =	ssyncadd.s32 $0xFFFFFFFF  }
0xb6: {  	_ =	strace $0x9000004B  }
0xb7: {  	_ =	sfence  }
0xb8: {  	s30 =	sld [smem:$0x0];
	_ =	sdelay $0x2  }
0xb9: {  	s31 =	sshll.u32 s1, $0xD;
	s1 =	sshrl.u32 s1, $0x2  }
0xba: {  	s3 =	sand.u32 $0x4000, s31;
	s1 =	sadd.s32 s1, s30  }
0xbb: {  	s0 =	sor.u32 s3, s0;
	s1 =	sshll.u32 s1, $0x11  }
0xbc: {  	s0 =	sor.u32 s1, s0  }
0xbd: {  	s0 =	sadd.s32 $0x8F2B, s0  }
0xbe: {  	[sflag:s0] =	ssyncadd.remote.s32 $0x1  }
0xbf: {  	_ =	sfence.sel $0xFFFF  }
0xc0: {  	[dreg:$0x0] =	wrdreg $0xFFFFFFFF;
	(pc) =	sbr.abs _section_cstart, $3  }
0xc1: {  	[dreg:$0x1] =	wrdreg $0xFFFFFFFF  }
0xc2: {  	_ =	task.clear_ibuf [dreg:s7], $0x2FFFF;
	_ =	strace $0x9FFFFFFF  }
0xc3: {  	(tm) =	ssettm $0x7FFFFFFF  }
tec
execute0_lowered:
.L_overlay_start_1:
0x0: {  	(tag) =	ssettag $0x1  }
0x1: {  	s0 =	rddreg [dreg:$0x0]  }
0x2: {  	s3 =	rddreg [dreg:$0x1]  }
0x3: {  	s1 =	rddreg [dreg:$0x2];
	s4 =	srdreg.scid  }
0x4: {  	s2 =	simm.s32 $0x0;
	s18 =	stileid.u32;
	s28 =	simm.s32 $0x180  }
0x5: {  	s29 =	simm.s32 $0x580;
	s30 =	simm.s32 $0x200;
	s7 =	smul.u32 $0x50000, s18  }
0x6: {  	s31 =	simm.s32 $0x600;
	s5 =	sand.u32 $0x1, s4;
	s10 =	smul.u32 $0x14000, s18  }
0x7: {  	[smem:$0x7FF] =	sst s2;
	s4 =	sadd.s32 $0x21400, s0;
	s23 =	smul.u32 $0x500, s18  }
0x8: {  	s8 =	sadd.s32 $0x20600, s0;
	s6 =	smul.u32 $0x5000, s5;
	_ =	strace $0x8000004A  }
0x9: {  	[dreg:$0x4] =	wrdreg s8;
	s19 =	ssub.s32 $0x2, s5;
	s5 =	smul.u32 $0x140000, s5  }
0xa: {  	s9 =	sshrl.u32 s19, $0x1;
	s7 =	sshrl.u32 s7, $0x2;
	s13 =	sadd.s32 $0x4000, s10  }
0xb: {  	s14 =	sadd.s32 $0x8000, s10;
	s15 =	sadd.s32 $0xC000, s10;
	s16 =	sadd.s32 $0x10000, s10  }
0xc: {  	s11 =	sadd.s32 s6, s0;
	s0 =	sadd.s32 $0x49400, s0;
	s12 =	ssub.s32 s19, s9  }
0xd: {  	s7 =	sadd.s32 s7, s1;
	s8 =	sadd.s32 s13, s1;
	s20 =	sadd.s32 s14, s1  }
0xe: {  	s19 =	sadd.s32 s15, s1;
	s17 =	sadd.s32 s10, s5;
	s13 =	sadd.s32 s5, s13  }
0xf: {  	s10 =	sadd.s32 s16, s1;
	s21 =	sadd.s32 s5, s14;
	s22 =	sadd.s32 s5, s15  }
0x10: {  	s5 =	sadd.s32 s5, s16;
	s3 =	sadd.s32 s6, s3;
	s17 =	sshrl.u32 s17, $0x3  }
0x11: {  	s13 =	sshrl.u32 s13, $0x3;
	s16 =	smov.u32 s19;
	s14 =	sshrl.u32 s22, $0x3  }
0x12: {  	s5 =	sshrl.u32 s5, $0x3;
	s25 =	smax.u32 s12, $0x1;
	s26 =	sadd.s32 s23, s11  }
0x13: {  	s18 =	sadd.s32 s23, s3;
	s15 =	smov.u32 s20;
	s19 =	simm.s32 $0x800  }
0x14: {  	s20 =	simm.s32 $0x2;
	s22 =	simm.s32 $0x80;
	[dreg:$0x7] =	wrdreg s10  }
0x15: {  	s23 =	simm.s32 $0x1;
	s3 =	simm.s32 $0x680;
	[dreg:$0xd] =	wrdreg s25  }
0x16: {  	s11 =	simm.s32 $0x700;
	s12 =	simm.s32 $0x380;
	[dreg:$0x5] =	wrdreg s15  }
0x17: {  	s17 =	sadd.s32 s0, s17;
	s13 =	sadd.s32 s0, s13;
	[dreg:$0x6] =	wrdreg s16  }
0x18: {  	s24 =	sadd.s32 s0, s14;
	s25 =	simm.s32 $0x100;
	[dreg:$0x8] =	wrdreg s17  }
0x19: {  	s14 =	simm.s32 $0x0;
	[dreg:$0x9] =	wrdreg s13;
	s13 =	sshrl.u32 s21, $0x3  }
0x1a: {  	[dreg:$0xb] =	wrdreg s24;
	s17 =	sadd.s32 $0x16600, s26;
	s21 =	simm.s32 $0x400  }
0x1b: {  	s24 =	simm.s32 $0x480;
	s26 =	simm.s32 $0x500;
	s13 =	sadd.s32 s0, s13  }
0x1c: {  	s0 =	sadd.s32 s0, s5;
	s5 =	simm.s32 $0x300;
	[dreg:$0xa] =	wrdreg s13  }
0x1d: {  	[dreg:$0xc] =	wrdreg s0;
	s0 =	simm.s32 $0x280;
	s13 =	simm.s32 $0x780  }
.LBB2_1:
0x1e: {  	s6 =	rddreg [dreg:$0x4]  }
0x1f: {  	[tilespmem:s19], [sflag:$0x2] =	stream.linear.gather [hbm4b:s6+s2], $0x4000, $0x38;
	[tilespmem:$0x18800] =	vst v63  }
0x20: {  	_ =	swait.ge [sflag:s20], $0x4000  }
0x21: {  	[sflag:s20] =	ssyncset.done $0x0  }
0x22: {  	[sflag:s20] =	ssyncadd.s32 $0xFFFFC000  }
0x23: {  	[spmem:s7] =	stream.linear.scatter [tilespmem:s19], [sflag:$0x2], $0x4000, $0x38;
	[tilespmem:$0x18800] =	vst v63  }
0x24: {  	_ =	swait.ge [sflag:s20], $0x4000  }
0x25: {  	[sflag:s20] =	ssyncset.done $0x0  }
0x26: {  	[sflag:s20] =	ssyncadd.s32 $0xFFFFC000  }
0x27: {  	[spmem:s8] =	stream.linear.scatter [tilespmem:s19], [sflag:$0x2], $0x4000, $0x38;
	[tilespmem:$0x18800] =	vst v63  }
0x28: {  	_ =	swait.ge [sflag:s20], $0x4000  }
0x29: {  	[sflag:s20] =	ssyncset.done $0x0  }
0x2a: {  	[sflag:s20] =	ssyncadd.s32 $0xFFFFC000  }
0x2b: {  	[spmem:s15] =	stream.linear.scatter [tilespmem:s19], [sflag:$0x2], $0x4000, $0x38;
	[tilespmem:$0x18800] =	vst v63  }
0x2c: {  	_ =	swait.ge [sflag:s20], $0x4000  }
0x2d: {  	[sflag:s20] =	ssyncset.done $0x0  }
0x2e: {  	[sflag:s20] =	ssyncadd.s32 $0xFFFFC000  }
0x2f: {  	[spmem:s16] =	stream.linear.scatter [tilespmem:s19], [sflag:$0x2], $0x4000, $0x38;
	[tilespmem:$0x18800] =	vst v63  }
0x30: {  	_ =	swait.ge [sflag:s20], $0x4000  }
0x31: {  	[sflag:s20] =	ssyncset.done $0x0  }
0x32: {  	s9 =	smov.u32 s7;
	s7 =	smov.u32 s10;
	[sflag:s20] =	ssyncadd.s32 $0xFFFFC000  }
0x33: {  	[spmem:s7] =	stream.linear.scatter [tilespmem:s19], [sflag:$0x2], $0x4000, $0x38;
	[tilespmem:$0x18800] =	vst v63  }
0x34: {  	_ =	swait.ge [sflag:s20], $0x4000  }
0x35: {  	[sflag:s20] =	ssyncset.done $0x0  }
0x36: {  	[sflag:s20] =	ssyncadd.s32 $0xFFFFC000  }
0x37: {  	s15 =	sadd.s32 $0x0, s18;
	[bflag:$0x0] =	sbarrier.arrive $0xFFFF  }
0x38: {  	[tilespmem:s2], [sflag:$0x2] =	stream.linear.gather [hbm4b:s15+s2], $0x400, $0x38;
	[tilespmem:$0x18800] =	vst v63  }
0x39: {  	_ =	swait.ge [sflag:s20], $0x400  }
0x3a: {  	[sflag:s20] =	ssyncset.done $0x0  }
0x3b: {  	s16 =	sadd.s32 $0x0, s17;
	[sflag:s20] =	ssyncadd.s32 $0xFFFFFC00  }
0x3c: {  	[tilespmem:s21], [sflag:$0x2] =	stream.linear.gather [hbm4b:s16+s2], $0x400, $0x38;
	[tilespmem:$0x18800] =	vst v63  }
0x3d: {  	_ =	swait.ge [sflag:s20], $0x400  }
0x3e: {  	[sflag:s20] =	ssyncset.done $0x0  }
0x3f: {  	[sflag:s20] =	ssyncadd.s32 $0xFFFFFC00  }
0x40: {  	[tilespmem:s19], [sflag:$0x1] =	stream.indirect.gather [hbm4b:s4+s22], $0x80, s2, s22, $0xb8;
	[tilespmem:$0x18800] =	vst v63  }
0x41: {  	_ =	swait.ge [sflag:s23], $0x4000  }
0x42: {  	[sflag:s23] =	ssyncset.done $0x0  }
0x43: {  	[sflag:s23] =	ssyncadd.s32 $0xFFFFC000  }
0x44: {  	[spmem:s1] =	stream.indirect.scatter.add.f32 [tilespmem:s19], [sflag:$0x2], $0x80, s21, s22, $0xb8;
	[tilespmem:$0x18800] =	vst v63  }
0x45: {  	_ =	swait.ge [sflag:s20], $0x4000  }
0x46: {  	[sflag:s20] =	ssyncset.done $0x0  }
0x47: {  	[sflag:s20] =	ssyncadd.s32 $0xFFFFC000  }
0x48: {  	[tilespmem:s19], [sflag:$0x1] =	stream.indirect.gather [hbm4b:s4+s22], $0x80, s22, s22, $0xb8;
	[tilespmem:$0x18800] =	vst v63  }
0x49: {  	_ =	swait.ge [sflag:s23], $0x4000  }
0x4a: {  	[sflag:s23] =	ssyncset.done $0x0  }
0x4b: {  	[sflag:s23] =	ssyncadd.s32 $0xFFFFC000  }
0x4c: {  	[spmem:s1] =	stream.indirect.scatter.add.f32 [tilespmem:s19], [sflag:$0x2], $0x80, s24, s22, $0xb8;
	[tilespmem:$0x18800] =	vst v63  }
0x4d: {  	_ =	swait.ge [sflag:s20], $0x4000  }
0x4e: {  	[sflag:s20] =	ssyncset.done $0x0  }
0x4f: {  	[sflag:s20] =	ssyncadd.s32 $0xFFFFC000  }
0x50: {  	[tilespmem:s19], [sflag:$0x1] =	stream.indirect.gather [hbm4b:s4+s22], $0x80, s25, s22, $0xb8;
	[tilespmem:$0x18800] =	vst v63  }
0x51: {  	_ =	swait.ge [sflag:s23], $0x4000  }
0x52: {  	[sflag:s23] =	ssyncset.done $0x0  }
0x53: {  	[sflag:s23] =	ssyncadd.s32 $0xFFFFC000  }
0x54: {  	[spmem:s1] =	stream.indirect.scatter.add.f32 [tilespmem:s19], [sflag:$0x2], $0x80, s26, s22, $0xb8;
	[tilespmem:$0x18800] =	vst v63  }
0x55: {  	_ =	swait.ge [sflag:s20], $0x4000  }
0x56: {  	[sflag:s20] =	ssyncset.done $0x0  }
0x57: {  	[sflag:s20] =	ssyncadd.s32 $0xFFFFC000  }
0x58: {  	[tilespmem:s19], [sflag:$0x1] =	stream.indirect.gather [hbm4b:s4+s22], $0x80, s28, s22, $0xb8;
	[tilespmem:$0x18800] =	vst v63  }
0x59: {  	_ =	swait.ge [sflag:s23], $0x4000  }
0x5a: {  	[sflag:s23] =	ssyncset.done $0x0  }
0x5b: {  	[sflag:s23] =	ssyncadd.s32 $0xFFFFC000  }
0x5c: {  	[spmem:s1] =	stream.indirect.scatter.add.f32 [tilespmem:s19], [sflag:$0x2], $0x80, s29, s22, $0xb8;
	[tilespmem:$0x18800] =	vst v63  }
0x5d: {  	_ =	swait.ge [sflag:s20], $0x4000  }
0x5e: {  	[sflag:s20] =	ssyncset.done $0x0  }
0x5f: {  	[sflag:s20] =	ssyncadd.s32 $0xFFFFC000  }
0x60: {  	[tilespmem:s19], [sflag:$0x1] =	stream.indirect.gather [hbm4b:s4+s22], $0x80, s30, s22, $0xb8;
	[tilespmem:$0x18800] =	vst v63  }
0x61: {  	_ =	swait.ge [sflag:s23], $0x4000  }
0x62: {  	[sflag:s23] =	ssyncset.done $0x0  }
0x63: {  	[sflag:s23] =	ssyncadd.s32 $0xFFFFC000  }
0x64: {  	[spmem:s1] =	stream.indirect.scatter.add.f32 [tilespmem:s19], [sflag:$0x2], $0x80, s31, s22, $0xb8;
	[tilespmem:$0x18800] =	vst v63  }
0x65: {  	_ =	swait.ge [sflag:s20], $0x4000  }
0x66: {  	[sflag:s20] =	ssyncset.done $0x0  }
0x67: {  	[sflag:s20] =	ssyncadd.s32 $0xFFFFC000  }
0x68: {  	[tilespmem:s19], [sflag:$0x1] =	stream.indirect.gather [hbm4b:s4+s22], $0x80, s0, s22, $0xb8;
	[tilespmem:$0x18800] =	vst v63  }
0x69: {  	_ =	swait.ge [sflag:s23], $0x4000  }
0x6a: {  	[sflag:s23] =	ssyncset.done $0x0  }
0x6b: {  	[sflag:s23] =	ssyncadd.s32 $0xFFFFC000  }
0x6c: {  	[spmem:s1] =	stream.indirect.scatter.add.f32 [tilespmem:s19], [sflag:$0x2], $0x80, s3, s22, $0xb8;
	[tilespmem:$0x18800] =	vst v63  }
0x6d: {  	_ =	swait.ge [sflag:s20], $0x4000  }
0x6e: {  	[sflag:s20] =	ssyncset.done $0x0  }
0x6f: {  	[sflag:s20] =	ssyncadd.s32 $0xFFFFC000  }
0x70: {  	[tilespmem:s19], [sflag:$0x1] =	stream.indirect.gather [hbm4b:s4+s22], $0x80, s5, s22, $0xb8;
	[tilespmem:$0x18800] =	vst v63  }
0x71: {  	_ =	swait.ge [sflag:s23], $0x4000  }
0x72: {  	[sflag:s23] =	ssyncset.done $0x0  }
0x73: {  	[sflag:s23] =	ssyncadd.s32 $0xFFFFC000  }
0x74: {  	[spmem:s1] =	stream.indirect.scatter.add.f32 [tilespmem:s19], [sflag:$0x2], $0x80, s11, s22, $0xb8;
	[tilespmem:$0x18800] =	vst v63  }
0x75: {  	_ =	swait.ge [sflag:s20], $0x4000  }
0x76: {  	[sflag:s20] =	ssyncset.done $0x0  }
0x77: {  	[sflag:s20] =	ssyncadd.s32 $0xFFFFC000  }
0x78: {  	[tilespmem:s19], [sflag:$0x1] =	stream.indirect.gather [hbm4b:s4+s22], $0x80, s12, s22, $0xb8;
	[tilespmem:$0x18800] =	vst v63  }
0x79: {  	_ =	swait.ge [sflag:s23], $0x4000  }
0x7a: {  	[sflag:s23] =	ssyncset.done $0x0  }
0x7b: {  	[sflag:s23] =	ssyncadd.s32 $0xFFFFC000  }
0x7c: {  	[spmem:s1] =	stream.indirect.scatter.add.f32 [tilespmem:s19], [sflag:$0x2], $0x80, s13, s22, $0xb8;
	[tilespmem:$0x18800] =	vst v63  }
0x7d: {  	s10 =	smov.u32 s8;
	_ =	swait.ge [sflag:s20], $0x4000  }
0x7e: {  	s15 =	simm.s32 $0x80;
	s16 =	simm.s32 $0x100;
	[sflag:s20] =	ssyncset.done $0x0  }
.LBB2_2:
0x7f: {  	s7 =	sadd.s32 s15, s18  }
0x80: {  	[sflag:s20] =	ssyncadd.s32 $0xFFFFC000;
	s8 =	smov.u32 s16;
	s6 =	sadd.s32 $0x80, s16  }
0x81: {  	[tilespmem:s2], [sflag:$0x2] =	stream.linear.gather [hbm4b:s7+s2], $0x400, $0x38;
	[tilespmem:$0x18800] =	vst v63  }
0x82: {  	p0 =	sne.s32 s16, $0x480;
	_ =	swait.ge [sflag:s20], $0x400  }
0x83: {  	[sflag:s20] =	ssyncset.done $0x0  }
0x84: {  	s7 =	sadd.s32 s15, s17;
	s15 =	smov.u32 s8;
	[sflag:s20] =	ssyncadd.s32 $0xFFFFFC00  }
0x85: {  	[tilespmem:s21], [sflag:$0x2] =	stream.linear.gather [hbm4b:s7+s2], $0x400, $0x38;
	[tilespmem:$0x18800] =	vst v63  }
0x86: {  	_ =	swait.ge [sflag:s20], $0x400  }
0x87: {  	[sflag:s20] =	ssyncset.done $0x0  }
0x88: {  	[sflag:s20] =	ssyncadd.s32 $0xFFFFFC00  }
0x89: {  	[tilespmem:s19], [sflag:$0x1] =	stream.indirect.gather [hbm4b:s4+s22], $0x80, s2, s22, $0xb8;
	[tilespmem:$0x18800] =	vst v63  }
0x8a: {  	_ =	swait.ge [sflag:s23], $0x4000  }
0x8b: {  	[sflag:s23] =	ssyncset.done $0x0  }
0x8c: {  	[sflag:s23] =	ssyncadd.s32 $0xFFFFC000  }
0x8d: {  	[spmem:s1] =	stream.indirect.scatter.add.f32 [tilespmem:s19], [sflag:$0x2], $0x80, s21, s22, $0xb8;
	[tilespmem:$0x18800] =	vst v63  }
0x8e: {  	_ =	swait.ge [sflag:s20], $0x4000  }
0x8f: {  	[sflag:s20] =	ssyncset.done $0x0  }
0x90: {  	[sflag:s20] =	ssyncadd.s32 $0xFFFFC000  }
0x91: {  	[tilespmem:s19], [sflag:$0x1] =	stream.indirect.gather [hbm4b:s4+s22], $0x80, s22, s22, $0xb8;
	[tilespmem:$0x18800] =	vst v63  }
0x92: {  	_ =	swait.ge [sflag:s23], $0x4000  }
0x93: {  	[sflag:s23] =	ssyncset.done $0x0  }
0x94: {  	[sflag:s23] =	ssyncadd.s32 $0xFFFFC000  }
0x95: {  	[spmem:s1] =	stream.indirect.scatter.add.f32 [tilespmem:s19], [sflag:$0x2], $0x80, s24, s22, $0xb8;
	[tilespmem:$0x18800] =	vst v63  }
0x96: {  	_ =	swait.ge [sflag:s20], $0x4000  }
0x97: {  	[sflag:s20] =	ssyncset.done $0x0  }
0x98: {  	[sflag:s20] =	ssyncadd.s32 $0xFFFFC000  }
0x99: {  	[tilespmem:s19], [sflag:$0x1] =	stream.indirect.gather [hbm4b:s4+s22], $0x80, s25, s22, $0xb8;
	[tilespmem:$0x18800] =	vst v63  }
0x9a: {  	_ =	swait.ge [sflag:s23], $0x4000  }
0x9b: {  	[sflag:s23] =	ssyncset.done $0x0  }
0x9c: {  	[sflag:s23] =	ssyncadd.s32 $0xFFFFC000  }
0x9d: {  	[spmem:s1] =	stream.indirect.scatter.add.f32 [tilespmem:s19], [sflag:$0x2], $0x80, s26, s22, $0xb8;
	[tilespmem:$0x18800] =	vst v63  }
0x9e: {  	_ =	swait.ge [sflag:s20], $0x4000  }
0x9f: {  	[sflag:s20] =	ssyncset.done $0x0  }
0xa0: {  	[sflag:s20] =	ssyncadd.s32 $0xFFFFC000  }
0xa1: {  	[tilespmem:s19], [sflag:$0x1] =	stream.indirect.gather [hbm4b:s4+s22], $0x80, s28, s22, $0xb8;
	[tilespmem:$0x18800] =	vst v63  }
0xa2: {  	_ =	swait.ge [sflag:s23], $0x4000  }
0xa3: {  	[sflag:s23] =	ssyncset.done $0x0  }
0xa4: {  	[sflag:s23] =	ssyncadd.s32 $0xFFFFC000  }
0xa5: {  	[spmem:s1] =	stream.indirect.scatter.add.f32 [tilespmem:s19], [sflag:$0x2], $0x80, s29, s22, $0xb8;
	[tilespmem:$0x18800] =	vst v63  }
0xa6: {  	_ =	swait.ge [sflag:s20], $0x4000  }
0xa7: {  	[sflag:s20] =	ssyncset.done $0x0  }
0xa8: {  	[sflag:s20] =	ssyncadd.s32 $0xFFFFC000  }
0xa9: {  	[tilespmem:s19], [sflag:$0x1] =	stream.indirect.gather [hbm4b:s4+s22], $0x80, s30, s22, $0xb8;
	[tilespmem:$0x18800] =	vst v63  }
0xaa: {  	_ =	swait.ge [sflag:s23], $0x4000  }
0xab: {  	[sflag:s23] =	ssyncset.done $0x0  }
0xac: {  	[sflag:s23] =	ssyncadd.s32 $0xFFFFC000  }
0xad: {  	[spmem:s1] =	stream.indirect.scatter.add.f32 [tilespmem:s19], [sflag:$0x2], $0x80, s31, s22, $0xb8;
	[tilespmem:$0x18800] =	vst v63  }
0xae: {  	_ =	swait.ge [sflag:s20], $0x4000  }
0xaf: {  	[sflag:s20] =	ssyncset.done $0x0  }
0xb0: {  	[sflag:s20] =	ssyncadd.s32 $0xFFFFC000  }
0xb1: {  	[tilespmem:s19], [sflag:$0x1] =	stream.indirect.gather [hbm4b:s4+s22], $0x80, s0, s22, $0xb8;
	[tilespmem:$0x18800] =	vst v63  }
0xb2: {  	_ =	swait.ge [sflag:s23], $0x4000  }
0xb3: {  	[sflag:s23] =	ssyncset.done $0x0  }
0xb4: {  	[sflag:s23] =	ssyncadd.s32 $0xFFFFC000  }
0xb5: {  	[spmem:s1] =	stream.indirect.scatter.add.f32 [tilespmem:s19], [sflag:$0x2], $0x80, s3, s22, $0xb8;
	[tilespmem:$0x18800] =	vst v63  }
0xb6: {  	_ =	swait.ge [sflag:s20], $0x4000  }
0xb7: {  	[sflag:s20] =	ssyncset.done $0x0  }
0xb8: {  	[sflag:s20] =	ssyncadd.s32 $0xFFFFC000  }
0xb9: {  	[tilespmem:s19], [sflag:$0x1] =	stream.indirect.gather [hbm4b:s4+s22], $0x80, s5, s22, $0xb8;
	[tilespmem:$0x18800] =	vst v63  }
0xba: {  	_ =	swait.ge [sflag:s23], $0x4000  }
0xbb: {  	[sflag:s23] =	ssyncset.done $0x0  }
0xbc: {  	[sflag:s23] =	ssyncadd.s32 $0xFFFFC000  }
0xbd: {  	[spmem:s1] =	stream.indirect.scatter.add.f32 [tilespmem:s19], [sflag:$0x2], $0x80, s11, s22, $0xb8;
	[tilespmem:$0x18800] =	vst v63  }
0xbe: {  	_ =	swait.ge [sflag:s20], $0x4000  }
0xbf: {  	[sflag:s20] =	ssyncset.done $0x0  }
0xc0: {  	[sflag:s20] =	ssyncadd.s32 $0xFFFFC000  }
0xc1: {  	[tilespmem:s19], [sflag:$0x1] =	stream.indirect.gather [hbm4b:s4+s22], $0x80, s12, s22, $0xb8;
	[tilespmem:$0x18800] =	vst v63  }
0xc2: {  	_ =	swait.ge [sflag:s23], $0x4000  }
.Ltmp0:
0xc3: {  	[sflag:s23] =	ssyncset.done $0x0;
	(pc) =	sbr.rel @p0 .LBB2_2-.Ltmp0, $4  }
0xc4: {  	[sflag:s23] =	ssyncadd.s32 $0xFFFFC000  }
0xc5: {  	[spmem:s1] =	stream.indirect.scatter.add.f32 [tilespmem:s19], [sflag:$0x2], $0x80, s13, s22, $0xb8;
	[tilespmem:$0x18800] =	vst v63  }
0xc6: {  	_ =	swait.ge [sflag:s20], $0x4000  }
0xc7: {  	s16 =	smov.u32 s6;
	[sflag:s20] =	ssyncset.done $0x0  }
0xc8: {  	s6 =	sadd.s32 s15, s18;
	[sflag:s20] =	ssyncadd.s32 $0xFFFFC000  }
0xc9: {  	[tilespmem:s2], [sflag:$0x2] =	stream.linear.gather [hbm4b:s6+s2], $0x400, $0x38;
	[tilespmem:$0x18800] =	vst v63  }
0xca: {  	_ =	swait.ge [sflag:s20], $0x400  }
0xcb: {  	[sflag:s20] =	ssyncset.done $0x0  }
0xcc: {  	s8 =	sadd.s32 s15, s17;
	[sflag:s20] =	ssyncadd.s32 $0xFFFFFC00  }
0xcd: {  	[tilespmem:s21], [sflag:$0x2] =	stream.linear.gather [hbm4b:s8+s2], $0x400, $0x38;
	[tilespmem:$0x18800] =	vst v63  }
0xce: {  	_ =	swait.ge [sflag:s20], $0x400  }
0xcf: {  	[sflag:s20] =	ssyncset.done $0x0  }
0xd0: {  	[sflag:s20] =	ssyncadd.s32 $0xFFFFFC00  }
0xd1: {  	[tilespmem:s19], [sflag:$0x1] =	stream.indirect.gather [hbm4b:s4+s22], $0x80, s2, s22, $0xb8;
	[tilespmem:$0x18800] =	vst v63  }
0xd2: {  	_ =	swait.ge [sflag:s23], $0x4000  }
0xd3: {  	[sflag:s23] =	ssyncset.done $0x0  }
0xd4: {  	[sflag:s23] =	ssyncadd.s32 $0xFFFFC000  }
0xd5: {  	[spmem:s1] =	stream.indirect.scatter.add.f32 [tilespmem:s19], [sflag:$0x2], $0x80, s21, s22, $0xb8;
	[tilespmem:$0x18800] =	vst v63  }
0xd6: {  	_ =	swait.ge [sflag:s20], $0x4000  }
0xd7: {  	[sflag:s20] =	ssyncset.done $0x0  }
0xd8: {  	[sflag:s20] =	ssyncadd.s32 $0xFFFFC000  }
0xd9: {  	[tilespmem:s19], [sflag:$0x1] =	stream.indirect.gather [hbm4b:s4+s22], $0x80, s22, s22, $0xb8;
	[tilespmem:$0x18800] =	vst v63  }
0xda: {  	_ =	swait.ge [sflag:s23], $0x4000  }
0xdb: {  	[sflag:s23] =	ssyncset.done $0x0  }
0xdc: {  	[sflag:s23] =	ssyncadd.s32 $0xFFFFC000  }
0xdd: {  	[spmem:s1] =	stream.indirect.scatter.add.f32 [tilespmem:s19], [sflag:$0x2], $0x80, s24, s22, $0xb8;
	[tilespmem:$0x18800] =	vst v63  }
0xde: {  	_ =	swait.ge [sflag:s20], $0x4000  }
0xdf: {  	[sflag:s20] =	ssyncset.done $0x0  }
0xe0: {  	[sflag:s20] =	ssyncadd.s32 $0xFFFFC000  }
0xe1: {  	[tilespmem:s19], [sflag:$0x1] =	stream.indirect.gather [hbm4b:s4+s22], $0x80, s25, s22, $0xb8;
	[tilespmem:$0x18800] =	vst v63  }
0xe2: {  	_ =	swait.ge [sflag:s23], $0x4000  }
0xe3: {  	[sflag:s23] =	ssyncset.done $0x0  }
0xe4: {  	[sflag:s23] =	ssyncadd.s32 $0xFFFFC000  }
0xe5: {  	[spmem:s1] =	stream.indirect.scatter.add.f32 [tilespmem:s19], [sflag:$0x2], $0x80, s26, s22, $0xb8;
	[tilespmem:$0x18800] =	vst v63  }
0xe6: {  	_ =	swait.ge [sflag:s20], $0x4000  }
0xe7: {  	[sflag:s20] =	ssyncset.done $0x0  }
0xe8: {  	[sflag:s20] =	ssyncadd.s32 $0xFFFFC000  }
0xe9: {  	[tilespmem:s19], [sflag:$0x1] =	stream.indirect.gather [hbm4b:s4+s22], $0x80, s28, s22, $0xb8;
	[tilespmem:$0x18800] =	vst v63  }
0xea: {  	_ =	swait.ge [sflag:s23], $0x4000  }
0xeb: {  	[sflag:s23] =	ssyncset.done $0x0  }
0xec: {  	[sflag:s23] =	ssyncadd.s32 $0xFFFFC000  }
0xed: {  	[spmem:s1] =	stream.indirect.scatter.add.f32 [tilespmem:s19], [sflag:$0x2], $0x80, s29, s22, $0xb8;
	[tilespmem:$0x18800] =	vst v63  }
0xee: {  	_ =	swait.ge [sflag:s20], $0x4000  }
0xef: {  	[sflag:s20] =	ssyncset.done $0x0  }
0xf0: {  	[sflag:s20] =	ssyncadd.s32 $0xFFFFC000  }
0xf1: {  	[tilespmem:s19], [sflag:$0x1] =	stream.indirect.gather [hbm4b:s4+s22], $0x80, s30, s22, $0xb8;
	[tilespmem:$0x18800] =	vst v63  }
0xf2: {  	_ =	swait.ge [sflag:s23], $0x4000  }
0xf3: {  	[sflag:s23] =	ssyncset.done $0x0  }
0xf4: {  	[sflag:s23] =	ssyncadd.s32 $0xFFFFC000  }
0xf5: {  	[spmem:s1] =	stream.indirect.scatter.add.f32 [tilespmem:s19], [sflag:$0x2], $0x80, s31, s22, $0xb8;
	[tilespmem:$0x18800] =	vst v63  }
0xf6: {  	_ =	swait.ge [sflag:s20], $0x4000  }
0xf7: {  	[sflag:s20] =	ssyncset.done $0x0  }
0xf8: {  	[sflag:s20] =	ssyncadd.s32 $0xFFFFC000  }
0xf9: {  	[tilespmem:s19], [sflag:$0x1] =	stream.indirect.gather [hbm4b:s4+s22], $0x80, s0, s22, $0xb8;
	[tilespmem:$0x18800] =	vst v63  }
0xfa: {  	_ =	swait.ge [sflag:s23], $0x4000  }
0xfb: {  	[sflag:s23] =	ssyncset.done $0x0  }
0xfc: {  	[sflag:s23] =	ssyncadd.s32 $0xFFFFC000  }
0xfd: {  	[spmem:s1] =	stream.indirect.scatter.add.f32 [tilespmem:s19], [sflag:$0x2], $0x80, s3, s22, $0xb8;
	[tilespmem:$0x18800] =	vst v63  }
0xfe: {  	_ =	swait.ge [sflag:s20], $0x4000  }
0xff: {  	[sflag:s20] =	ssyncset.done $0x0  }
0x100: {  	[sflag:s20] =	ssyncadd.s32 $0xFFFFC000  }
0x101: {  	[tilespmem:s19], [sflag:$0x1] =	stream.indirect.gather [hbm4b:s4+s22], $0x80, s5, s22, $0xb8;
	[tilespmem:$0x18800] =	vst v63  }
0x102: {  	_ =	swait.ge [sflag:s23], $0x4000  }
0x103: {  	[sflag:s23] =	ssyncset.done $0x0  }
0x104: {  	[sflag:s23] =	ssyncadd.s32 $0xFFFFC000  }
0x105: {  	[spmem:s1] =	stream.indirect.scatter.add.f32 [tilespmem:s19], [sflag:$0x2], $0x80, s11, s22, $0xb8;
	[tilespmem:$0x18800] =	vst v63  }
0x106: {  	_ =	swait.ge [sflag:s20], $0x4000  }
0x107: {  	[sflag:s20] =	ssyncset.done $0x0  }
0x108: {  	[sflag:s20] =	ssyncadd.s32 $0xFFFFC000  }
0x109: {  	[tilespmem:s19], [sflag:$0x1] =	stream.indirect.gather [hbm4b:s4+s22], $0x80, s12, s22, $0xb8;
	[tilespmem:$0x18800] =	vst v63  }
0x10a: {  	_ =	swait.ge [sflag:s23], $0x4000  }
0x10b: {  	[sflag:s23] =	ssyncset.done $0x0  }
0x10c: {  	[sflag:s23] =	ssyncadd.s32 $0xFFFFC000  }
0x10d: {  	[spmem:s1] =	stream.indirect.scatter.add.f32 [tilespmem:s19], [sflag:$0x2], $0x80, s13, s22, $0xb8;
	[tilespmem:$0x18800] =	vst v63  }
0x10e: {  	_ =	swait.ge [sflag:s20], $0x4000  }
0x10f: {  	[sflag:s20] =	ssyncset.done $0x0  }
0x110: {  	[sflag:s20] =	ssyncadd.s32 $0xFFFFC000  }
0x111: {  	[bflag:$0x0] =	sbarrier.arrive $0xFFFF  }
0x112: {  	[tilespmem:s19], [sflag:$0x2] =	stream.linear.gather [spmem:s9], $0x4000, $0x38;
	[tilespmem:$0x18800] =	vst v63  }
0x113: {  	_ =	swait.ge [sflag:s20], $0x4000  }
0x114: {  	[sflag:s20] =	ssyncset.done $0x0  }
0x115: {  	s15 =	rddreg [dreg:$0x8];
	[sflag:s20] =	ssyncadd.s32 $0xFFFFC000  }
0x116: {  	[hbm4b:s15+s2] =	stream.linear.scatter [tilespmem:s19], [sflag:$0x2], $0x4000, $0x38;
	[tilespmem:$0x18800] =	vst v63  }
0x117: {  	_ =	swait.ge [sflag:s20], $0x4000  }
0x118: {  	[sflag:s20] =	ssyncset.done $0x0  }
0x119: {  	[sflag:s20] =	ssyncadd.s32 $0xFFFFC000  }
0x11a: {  	[tilespmem:s19], [sflag:$0x2] =	stream.linear.gather [spmem:s10], $0x4000, $0x38;
	[tilespmem:$0x18800] =	vst v63  }
0x11b: {  	_ =	swait.ge [sflag:s20], $0x4000  }
0x11c: {  	[sflag:s20] =	ssyncset.done $0x0  }
0x11d: {  	s16 =	rddreg [dreg:$0x9];
	[sflag:s20] =	ssyncadd.s32 $0xFFFFC000  }
0x11e: {  	[hbm4b:s16+s2] =	stream.linear.scatter [tilespmem:s19], [sflag:$0x2], $0x4000, $0x38;
	[tilespmem:$0x18800] =	vst v63  }
0x11f: {  	_ =	swait.ge [sflag:s20], $0x4000  }
0x120: {  	[sflag:s20] =	ssyncset.done $0x0  }
0x121: {  	s15 =	rddreg [dreg:$0x5];
	[sflag:s20] =	ssyncadd.s32 $0xFFFFC000  }
0x122: {  	[tilespmem:s19], [sflag:$0x2] =	stream.linear.gather [spmem:s15], $0x4000, $0x38;
	[tilespmem:$0x18800] =	vst v63  }
0x123: {  	_ =	swait.ge [sflag:s20], $0x4000  }
0x124: {  	[sflag:s20] =	ssyncset.done $0x0  }
0x125: {  	s7 =	smov.u32 s9;
	s9 =	rddreg [dreg:$0xa];
	[sflag:s20] =	ssyncadd.s32 $0xFFFFC000  }
0x126: {  	[hbm4b:s9+s2] =	stream.linear.scatter [tilespmem:s19], [sflag:$0x2], $0x4000, $0x38;
	[tilespmem:$0x18800] =	vst v63  }
0x127: {  	_ =	swait.ge [sflag:s20], $0x4000  }
0x128: {  	[sflag:s20] =	ssyncset.done $0x0  }
0x129: {  	s16 =	rddreg [dreg:$0x6];
	[sflag:s20] =	ssyncadd.s32 $0xFFFFC000  }
0x12a: {  	[tilespmem:s19], [sflag:$0x2] =	stream.linear.gather [spmem:s16], $0x4000, $0x38;
	[tilespmem:$0x18800] =	vst v63  }
0x12b: {  	_ =	swait.ge [sflag:s20], $0x4000  }
0x12c: {  	[sflag:s20] =	ssyncset.done $0x0  }
0x12d: {  	s8 =	smov.u32 s10;
	s10 =	rddreg [dreg:$0xb];
	[sflag:s20] =	ssyncadd.s32 $0xFFFFC000  }
0x12e: {  	[hbm4b:s10+s2] =	stream.linear.scatter [tilespmem:s19], [sflag:$0x2], $0x4000, $0x38;
	[tilespmem:$0x18800] =	vst v63  }
0x12f: {  	_ =	swait.ge [sflag:s20], $0x4000  }
0x130: {  	[sflag:s20] =	ssyncset.done $0x0  }
0x131: {  	s10 =	rddreg [dreg:$0x7];
	[sflag:s20] =	ssyncadd.s32 $0xFFFFC000  }
0x132: {  	[tilespmem:s19], [sflag:$0x2] =	stream.linear.gather [spmem:s10], $0x4000, $0x38;
	[tilespmem:$0x18800] =	vst v63  }
0x133: {  	_ =	swait.ge [sflag:s20], $0x4000  }
0x134: {  	[sflag:s20] =	ssyncset.done $0x0  }
0x135: {  	s9 =	rddreg [dreg:$0xc];
	[sflag:s20] =	ssyncadd.s32 $0xFFFFC000  }
0x136: {  	[hbm4b:s9+s2] =	stream.linear.scatter [tilespmem:s19], [sflag:$0x2], $0x4000, $0x38;
	[tilespmem:$0x18800] =	vst v63  }
0x137: {  	_ =	swait.ge [sflag:s20], $0x4000  }
0x138: {  	s14 =	sadd.s32 $0x1, s14;
	s9 =	rddreg [dreg:$0xd]  }
0x139: {  	p0 =	sne.s32 s14, s9  }
.Ltmp1:
0x13a: {  	_ = 	snop;
	(pc) =	sbr.rel @p0 .LBB2_1-.Ltmp1, $3  }
0x13b: {  	_ =	sdelay $0x1  }
0x13c: {  	[sflag:s20] =	ssyncset.done $0x0  }
0x13d: {  	[sflag:s20] =	ssyncadd.s32 $0xFFFFC000  }
0x13e: {  	_ =	sfence.sel $0x180000  }
0x13f: {  	[bflag:$0x0] =	sbarrier.arrive $0xFFFF  }
0x140: {  	_ =	strace $0x9000004A  }
0x141: {  	s0 =	stileid.u32;
	[bflag:$0x2] =	sbarrier.arrive $0xFFFF  }
0x142: {  	p0 =	sne.s32 s0, $0x0;
	s0 =	rddreg [dreg:$0x3]  }
0x143: {  	s0 =	sadd.s32 @!p0 $0x100000, s0  }
0x144: {  	[sflag:s0] =	ssyncadd.tile.s32 @!p0 $0x1;
	_ =	shalt  }
.Lfunc_end2:
_tile_overlayer_lowered:
.L_overlay_start_2:
0x145: {  	(tag) =	ssettag $0x2  }
0x146: {  	s0 =	rddreg [dreg:$0x0];
	s2 =	stileid.u32  }
0x147: {  	s1 =	rddreg [dreg:$0x1];
	p0 =	sne.s32 s2, $0x0  }
0x148: {  	s3 =	rddreg [dreg:$0x2];
	[bflag:$0x3] =	sbarrier.arrive $0xFFFF;
	s2 =	simm.s32 @!p0 $0x1C02  }
0x149: {  	[timem:s3], [sflag:s2] =	dma.local @!p0 [hbm:s0], s1  }
0x14a: {  	s0 =	simm.s32 @!p0 $0x2  }
0x14b: {  	_ =	swait.ge @!p0 [sflag:s0], s1  }
0x14c: {  	s1 =	ssub.s32 @!p0 $0x0, s1;
	[sflag:s0] =	ssyncset.done @!p0 $0x0  }
0x14d: {  	[sflag:s0] =	ssyncadd.s32 @!p0 s1  }
0x14e: {  	[bflag:$0x3] =	sbarrier.arrive $0xFFFF  }
0x14f: {  	_ =	shalt  }

</sc_bundles>
